<compile_context>
chip_gen: v7x
topology: tpu7x:2x2x1
jax: 0.10.2.dev20260603
libtpu: 0.0.44.dev20260713+nightly
codegen_flags: <defaults>
</compile_context>

<pallas_src>
import functools

import jax
import jax.numpy as jnp
import numpy as np
from jax import lax
from jax.experimental import pallas as pl
from jax.experimental.pallas import tpu as pltpu
from jax.experimental.pallas import tpu_sc as plsc

_N = 50000
_E = 800000
_CUTOFF = 10.0
_EPS = 1e-6

_CHUNK = 128
_NCHUNKS = _E // _CHUNK
_NC, _NS = 2, 16
_CPS = _NCHUNKS // _NC
_ITERS = -(-_CPS // _NS)
_RPT = _N // _NS

_BE = 32000
_BN = 2000


def _spread_matrix():
    sp = np.zeros((128, 128), np.float32)
    for k in range(8):
        for f in range(16):
            sp[16 * k, 16 * k + f] = 1.0
    return sp


_COS_POLY = (-0.010331165670627092, 0.1149373998239153, -0.6662903901514783,
             2.029062907863501, -2.4673790213646787, 0.9999998300964388)


def _payload_body(f_ref, spread_ref, out_ref):
    f32 = jnp.float32
    f = f_ref[...]
    lane = lax.broadcasted_iota(jnp.int32, f.shape, 1)
    is0 = lane % 16 == 0
    u = f * (1.0 / _CUTOFF)
    y = u * u
    c = jnp.full_like(f, _COS_POLY[0])
    for cf in _COS_POLY[1:]:
        c = c * y + cf
    c = jnp.where((f <= _CUTOFF) & (f >= 0.0) & is0, c, 0.0)
    crep = jnp.dot(c, spread_ref[...], preferred_element_type=f32)
    out_ref[...] = crep * jnp.where(is0, 1.0, f)


def _edge_payload(gds, edge_sca, edge_vec9):
    f32 = jnp.float32
    e0 = np.zeros((1, 16), np.float32)
    e0[0, 0] = 1.0
    e1 = np.zeros((6, 16), np.float32)
    e1[np.arange(6), 1 + np.arange(6)] = 1.0
    e2 = np.zeros((9, 16), np.float32)
    e2[np.arange(9), 7 + np.arange(9)] = 1.0
    f16 = (gds[:, None] @ jnp.asarray(e0) + edge_sca @ jnp.asarray(e1)
           + edge_vec9 @ jnp.asarray(e2))
    bf = _BE // 8
    return pl.pallas_call(
        _payload_body,
        grid=(_E // _BE,),
        in_specs=[
            pl.BlockSpec((bf, 128), lambda i: (i, 0)),
            pl.BlockSpec((128, 128), lambda i: (0, 0)),
        ],
        out_specs=pl.BlockSpec((bf, 128), lambda i: (i, 0)),
        out_shape=jax.ShapeDtypeStruct((_E // 8, 128), jnp.float32),
    )(f16.reshape(_E // 8, 128), jnp.asarray(_spread_matrix()))


def _sc_scatter(src2, p3):
    mesh = plsc.VectorSubcoreMesh(core_axis_name="c", subcore_axis_name="s")

    @functools.partial(
        pl.kernel,
        mesh=mesh,
        out_type=jax.ShapeDtypeStruct((_NC * _NS, _RPT, 16), jnp.float32),
        compiler_params=pltpu.CompilerParams(use_tc_tiling_on_sc=False),
        scratch_types=[
            pltpu.VMEM((_CHUNK,), jnp.int32),
            pltpu.VMEM((_CHUNK,), jnp.int32),
            pltpu.VMEM((_CHUNK, 16), jnp.float32),
            pltpu.VMEM((_CHUNK, 16), jnp.float32),
            pltpu.VMEM((_RPT, 16), jnp.float32),
            pltpu.VMEM_SHARED((_N, 16), jnp.float32),
            pltpu.SemaphoreType.DMA,
            pltpu.SemaphoreType.DMA,
            pltpu.SemaphoreType.DMA,
            pltpu.SemaphoreType.DMA,
        ],
    )
    def scatter_kernel(src_hbm, p_hbm, out_hbm, idx0, idx1, pay0, pay1,
                       row_v, acc_sh, si0, si1, sp0, sp1):
        c = lax.axis_index("c")
        s = lax.axis_index("s")
        idxs, pays, sis, sps = (idx0, idx1), (pay0, pay1), (si0, si1), (sp0, sp1)

        def zero_row(i, carry):
            row_v[i] = jnp.zeros((16,), jnp.float32)
            return carry

        lax.fori_loop(0, _RPT, zero_row, 0)
        pltpu.sync_copy(row_v, acc_sh.at[pl.ds(s * _RPT, _RPT)])
        plsc.subcore_barrier()

        def q_of(i):
            return c * _CPS + jnp.minimum(i * _NS + s, _CPS - 1)

        def start(b, i):
            q = q_of(i)
            pltpu.async_copy(src_hbm.at[q], idxs[b], sis[b])
            pltpu.async_copy(p_hbm.at[q], pays[b], sps[b])

        def wait(b):
            pltpu.make_async_copy(src_hbm.at[0], idxs[b], sis[b]).wait()
            pltpu.make_async_copy(p_hbm.at[0], pays[b], sps[b]).wait()

        start(0, 0)
        start(1, 1)

        def body(j, carry):
            for b in range(2):
                i = j * 2 + b
                wait(b)

                @pl.when(i * _NS + s < _CPS)
                def _():
                    pltpu.sync_copy(pays[b], acc_sh.at[idxs[b]], add=True)

                start(b, i + 2)
            return carry

        lax.fori_loop(0, _ITERS // 2, body, 0)
        wait(0)
        wait(1)
        plsc.subcore_barrier()

        pltpu.sync_copy(acc_sh.at[pl.ds(s * _RPT, _RPT)], row_v)
        pltpu.sync_copy(row_v, out_hbm.at[c * _NS + s])

    return scatter_kernel(src2, p3)


def _node_body(x4_ref, x9_ref, ta_ref, tb_ref,
               wnss_ref, bnss_ref, wnsv_ref, bnsv_ref,
               knvv_ref, bnvv3_ref, wess_ref, bess_ref,
               wesv_ref, besv_ref, kevv_ref, bevv3_ref,
               klv_ref, klv2_ref, wlsa_ref, wlsb_ref,
               wgate_ref, bgate_ref, kdir_ref, rep_ref, grp_ref,
               outs_ref, outv_ref):
    f32 = jnp.float32

    def dot(a, b):
        return jnp.dot(a, b, preferred_element_type=f32)

    x4 = x4_ref[...]
    x9 = x9_ref[...]
    T = ta_ref[...] + tb_ref[...]
    T0 = T[:, 0:1]
    T1 = T[:, 1:7]
    T2 = T[:, 7:16]
    R = rep_ref[...]
    G = grp_ref[...]

    pre_s = dot(x4, wnss_ref[...]) + bnss_ref[...]
    pre_sv = dot(x4, wnsv_ref[...]) + bnsv_ref[...]
    pre_v = dot(x9, knvv_ref[...]) + bnvv3_ref[...]
    S1 = dot(T1, wess_ref[...]) + T0 * bess_ref[...]
    S2 = dot(T1, wesv_ref[...]) + T0 * besv_ref[...]
    S3 = dot(T2, kevv_ref[...]) + T0 * bevv3_ref[...]

    aggr_s = pre_s * S1
    aggr_v = pre_v * dot(S2, R) + dot(pre_sv, R) * S3

    v_inter = dot(aggr_v, klv_ref[...])
    v_norm = jnp.sqrt(dot(v_inter * v_inter, G) + 1e-12)
    out_s = dot(v_norm, wlsa_ref[...]) + dot(aggr_s, wlsb_ref[...])
    out_v = dot(v_inter, klv2_ref[...])
    gate = jax.nn.sigmoid(dot(out_s, wgate_ref[...]) + bgate_ref[...])
    out_v = dot(gate, R) * out_v

    d = dot(out_v, kdir_ref[...])
    vd = dot(out_v * d, G)
    dsq = dot(d * d, G)
    mask = (vd >= 0.0).astype(f32)
    corr = out_v - dot(vd / (dsq + _EPS), R) * d
    outv_ref[...] = 0.2 * out_v + 0.8 * (dot(mask, R) * out_v + dot(1.0 - mask, R) * corr)
    outs_ref[...] = jnp.where(out_s >= 0.0, out_s, 0.01 * out_s)


def _node_pass(x4, x9, tcat, weights):
    full_specs = [pl.BlockSpec(w.shape, lambda i, n=w.ndim: (0,) * n) for w in weights]
    return pl.pallas_call(
        _node_body,
        grid=(_N // _BN,),
        in_specs=[
            pl.BlockSpec((_BN, 4), lambda i: (i, 0)),
            pl.BlockSpec((_BN, 9), lambda i: (i, 0)),
            pl.BlockSpec((_BN, 16), lambda i: (i, 0)),
            pl.BlockSpec((_BN, 16), lambda i: (i + _N // _BN, 0)),
        ] + full_specs,
        out_specs=[
            pl.BlockSpec((_BN, 16), lambda i: (i, 0)),
            pl.BlockSpec((_BN, 48), lambda i: (i, 0)),
        ],
        out_shape=[
            jax.ShapeDtypeStruct((_N, 16), jnp.float32),
            jax.ShapeDtypeStruct((_N, 48), jnp.float32),
        ],
    )(x4, x9, tcat, tcat, *weights)


def kernel(node_sca, node_vec, edge_sca, edge_vec, gds_dist, edge_index,
           W_nss, b_nss, W_ess, b_ess, W_esv, b_esv, W_nsv, b_nsv,
           W_evv, b_evv, W_nvv, b_nvv, W_lv, W_lv2, W_gate, b_gate,
           W_ls, W_dir):
    f32 = jnp.float32

    P = _edge_payload(gds_dist, edge_sca, edge_vec.reshape(_E, 9))
    src2 = edge_index[0].reshape(_NCHUNKS, _CHUNK)
    tcat = _sc_scatter(src2, P.reshape(_NCHUNKS, _CHUNK, 16)).reshape(_NC * _N, 16)

    i3 = jnp.eye(3, dtype=f32)
    rep = jnp.kron(jnp.eye(16, dtype=f32), jnp.ones((1, 3), f32))
    weights = [
        W_nss.T, b_nss[None], W_nsv.T, b_nsv[None],
        jnp.kron(W_nvv, i3).T, jnp.repeat(b_nvv, 3)[None],
        W_ess.T, b_ess[None], W_esv.T, b_esv[None],
        jnp.kron(W_evv, i3).T, jnp.repeat(b_evv, 3)[None],
        jnp.kron(W_lv, i3).T, jnp.kron(W_lv2, i3).T,
        W_ls[:, :16].T, W_ls[:, 16:].T,
        W_gate.T, b_gate[None],
        jnp.kron(W_dir, i3).T, rep, rep.T,
    ]
    out_s, out_v = _node_pass(node_sca, node_vec.reshape(_N, 9), tcat, weights)
    return out_s, out_v.reshape(_N, 16, 3)

# --- scband reference (transcript-rebuilt; emitter-appended) ---
"""Pipeline reference for scband-geodesic-gnn-25890062860778 (READ-ONLY COPY).

The authoritative reference and input builder live on the scoring server;
editing this copy changes nothing except your own understanding.
"""

import jax, jax.numpy as jnp
import numpy as np

N_NODES = 50000
N_EDGES = 800000
CUTOFF = 10.0
EPS = 1e-6

PARAM_NAMES = ['W_nss','b_nss','W_ess','b_ess','W_esv','b_esv','W_nsv','b_nsv','W_evv','b_evv','W_nvv','b_nvv','W_lv','W_lv2','W_gate','b_gate','W_ls','W_dir']


def _lin(x, W, b=None):
    y = x @ W.T
    if b is not None:
        y = y + b
    return y


def _vnlin(x, W, b=None):
    # x: [N, C, 3]; W: [O, C] -> [N, O, 3]  (VNLinear applied over channel dim)
    y = jnp.einsum('ncd,oc->nod', x, W)
    if b is not None:
        y = y + b[None, :, None]
    return y


def _vn_leaky_relu(x, W, slope=0.2):
    d = jnp.einsum('ncd,oc->nod', x, W)
    dot = jnp.sum(x * d, axis=-1, keepdims=True)
    mask = (dot >= 0.0).astype(x.dtype)
    d_sq = jnp.sum(d * d, axis=-1, keepdims=True)
    return slope * x + (1.0 - slope) * (mask * x + (1.0 - mask) * (x - (dot / (d_sq + EPS)) * d))


def _forward(node_sca, node_vec, edge_sca, edge_vec, gds_dist, edge_index, p):
    src = edge_index[0]
    coeff = 0.5 * (jnp.cos(gds_dist * np.pi / CUTOFF) + 1.0)
    coeff = coeff * (gds_dist <= CUTOFF).astype(coeff.dtype) * (gds_dist >= 0.0).astype(coeff.dtype)
    # scalar messages
    msg_sca = _lin(node_sca, p['W_nss'], p['b_nss'])[src] * _lin(edge_sca, p['W_ess'], p['b_ess'])
    msg_sca = msg_sca * coeff[:, None]
    # vector messages
    mv1 = _vnlin(node_vec, p['W_nvv'], p['b_nvv'])[src] * _lin(edge_sca, p['W_esv'], p['b_esv'])[:, :, None]
    mv2 = _lin(node_sca, p['W_nsv'], p['b_nsv'])[src][:, :, None] * _vnlin(edge_vec, p['W_evv'], p['b_evv'])
    msg_vec = (mv1 + mv2) * coeff[:, None, None]
    # scatter-sum aggregation by edge_index[0]
    aggr_sca = jax.ops.segment_sum(msg_sca, src, num_segments=N_NODES)
    aggr_vec = jax.ops.segment_sum(msg_vec, src, num_segments=N_NODES)
    # GVPerceptronVN = GVLinear -> (VNLeakyReLU on vec, LeakyReLU on sca)
    v_inter = _vnlin(aggr_vec, p['W_lv'])
    v_norm = jnp.sqrt(jnp.sum(v_inter * v_inter, axis=-1) + 1e-12)
    s_cat = jnp.concatenate([v_norm, aggr_sca], axis=-1)
    out_s = s_cat @ p['W_ls'].T
    out_v = _vnlin(v_inter, p['W_lv2'])
    gate = jax.nn.sigmoid(_lin(out_s, p['W_gate'], p['b_gate']))[:, :, None]
    out_v = gate * out_v
    out_v = _vn_leaky_relu(out_v, p['W_dir'], 0.2)
    out_s = jnp.where(out_s >= 0.0, out_s, 0.01 * out_s)
    return out_s, out_v


def setup_inputs(seed: int = 0):
    key = jax.random.key(seed)
    ks = jax.random.split(key, 32)
    node_sca = jax.random.normal(ks[0], (N_NODES, 4), dtype=jnp.float32)
    node_vec = jax.random.normal(ks[1], (N_NODES, 3, 3), dtype=jnp.float32)
    edge_sca = jax.random.normal(ks[2], (N_EDGES, 6), dtype=jnp.float32)
    edge_vec = jax.random.normal(ks[3], (N_EDGES, 3, 3), dtype=jnp.float32)
    gds_dist = jax.random.uniform(ks[4], (N_EDGES,), dtype=jnp.float32) * 12.0
    edge_index = jax.random.randint(ks[5], (2, N_EDGES), 0, N_NODES, dtype=jnp.int32)

    def w(k, shape):
        return jax.random.normal(k, shape, dtype=jnp.float32) * 0.1

    params = dict(
        W_nss=w(ks[6], (16, 4)), b_nss=w(ks[7], (16,)),
        W_ess=w(ks[8], (16, 6)), b_ess=w(ks[9], (16,)),
        W_esv=w(ks[10], (16, 6)), b_esv=w(ks[11], (16,)),
        W_nsv=w(ks[12], (16, 4)), b_nsv=w(ks[13], (16,)),
        W_evv=w(ks[14], (16, 3)), b_evv=w(ks[15], (16,)),
        W_nvv=w(ks[16], (16, 3)), b_nvv=w(ks[17], (16,)),
        W_lv=w(ks[18], (16, 16)),
        W_lv2=w(ks[19], (16, 16)),
        W_gate=w(ks[20], (16, 16)), b_gate=w(ks[21], (16,)),
        W_ls=w(ks[22], (16, 32)),
        W_dir=w(ks[23], (16, 16)),
    )
    out = dict(node_sca=node_sca, node_vec=node_vec, edge_sca=edge_sca, edge_vec=edge_vec,
               gds_dist=gds_dist, edge_index=edge_index)
    out.update(params)
    return out


def reference(node_sca, node_vec, edge_sca, edge_vec, gds_dist, edge_index,
              W_nss, b_nss, W_ess, b_ess, W_esv, b_esv, W_nsv, b_nsv,
              W_evv, b_evv, W_nvv, b_nvv, W_lv, W_lv2, W_gate, b_gate,
              W_ls, W_dir):
    params = dict(
        W_nss=W_nss, b_nss=b_nss, W_ess=W_ess, b_ess=b_ess,
        W_esv=W_esv, b_esv=b_esv, W_nsv=W_nsv, b_nsv=b_nsv,
        W_evv=W_evv, b_evv=b_evv, W_nvv=W_nvv, b_nvv=b_nvv,
        W_lv=W_lv, W_lv2=W_lv2, W_gate=W_gate, b_gate=b_gate,
        W_ls=W_ls, W_dir=W_dir,
    )
    return _forward(node_sca, node_vec, edge_sca, edge_vec, gds_dist, edge_index, params)

if __name__ == "__main__":
    import jax
    _d = setup_inputs()
    print(jax.jit(kernel)(*tuple(_d.values())))

</pallas_src>

<mosaic_0001>
#map = affine_map<(d0, d1) -> (0, 0)>
#map1 = affine_map<(d0, d1) -> (0, 0, 0)>
module attributes {stable_mosaic.version = 14 : i64} {
  func.func @scatter_kernel(%arg0: i32, %arg1: i32, %arg2: memref<6250x128xi32, #tpu.memory_space<hbm>>, %arg3: memref<6250x128x16xf32, #tpu.memory_space<hbm>>, %arg4: memref<32x3125x16xf32, #tpu.memory_space<hbm>>, %arg5: memref<128xi32, #tpu.memory_space<vmem>>, %arg6: memref<128xi32, #tpu.memory_space<vmem>>, %arg7: memref<128x16xf32, #tpu.memory_space<vmem>>, %arg8: memref<128x16xf32, #tpu.memory_space<vmem>>, %arg9: memref<3125x16xf32, #tpu.memory_space<vmem>>, %arg10: memref<50000x16xf32, #tpu.memory_space<vmem_shared>>, %arg11: memref<!tpu.dma_semaphore, #tpu.memory_space<semaphore_mem>>, %arg12: memref<!tpu.dma_semaphore, #tpu.memory_space<semaphore_mem>>, %arg13: memref<!tpu.dma_semaphore, #tpu.memory_space<semaphore_mem>>, %arg14: memref<!tpu.dma_semaphore, #tpu.memory_space<semaphore_mem>>) attributes {dimension_semantics = [#tpu.dimension_semantics<core_parallel>, #tpu.dimension_semantics<subcore_parallel>], iteration_bounds = array<i64: 2, 16>, scalar_prefetch = 0 : i64, scratch_operands = 10 : i64, tpu.core_type = #tpu.core_type<sc_vector_subcore>, window_params = [{transform_indices = #map}, {transform_indices = #map1}, {transform_indices = #map1}]} {
    %scan3A = arith.constant 0 : i32
    %scan3A_0 = arith.constant 0 : i32
    %scan3A_1 = arith.constant 3125 : i32
    %scan3A_2 = arith.addi %scan3A_0, %scan3A_1 : i32
    %scan3A_3 = arith.constant 1 : i32
    scf.for %scan3A_88 = %scan3A_0 to %scan3A_2 step %scan3A_3  : i32 {
      %broadcast_in_dim3A = arith.constant 0.000000e+00 : f32
      %broadcast_in_dim3A_89 = vector.broadcast %broadcast_in_dim3A : f32 to vector<16xf32>
      %swap3A = arith.index_cast %scan3A_88 : i32 to index
      %swap3A_90 = arith.constant 0 : index
      %swap3A_91 = tpu.vector_load %arg9[%swap3A, %swap3A_90] {strides = array<i32>} : memref<3125x16xf32, #tpu.memory_space<vmem>>, vector<1x16xf32>,
      %swap3A_92 = vector.shape_cast %swap3A_91 : vector<1x16xf32> to vector<16xf32>
      %swap3A_93 = vector.shape_cast %broadcast_in_dim3A_89 : vector<16xf32> to vector<1x16xf32>
      tpu.vector_store %arg9[%swap3A, %swap3A_90], %swap3A_93 {strides = array<i32>} : memref<3125x16xf32, #tpu.memory_space<vmem>>, vector<1x16xf32>,
    }
    %scan3A_4 = arith.constant 3125 : i32
    %mul3A = arith.constant 3125 : i32
    %mul3A_5 = arith.muli %arg1, %mul3A : i32
    "tpu.region"() ({
      %run_scoped3A = tpu.sem_alloc : memref<!tpu.dma_semaphore, #tpu.memory_space<semaphore_mem>>
      %dma_start3A_88 = arith.constant 0 : i32
      %dma_start3A_89 = tpu.memref_slice %arg10[%mul3A_5, %dma_start3A_88] : memref<50000x16xf32, #tpu.memory_space<vmem_shared>> -> memref<3125x16xf32, #tpu.memory_space<vmem_shared>>
      %dma_start3A_90 = arith.constant 0 : i32
      %dma_start3A_91 = tpu.memref_slice %arg10[%mul3A_5, %dma_start3A_90] : memref<50000x16xf32, #tpu.memory_space<vmem_shared>> -> memref<3125x16xf32, #tpu.memory_space<vmem_shared>>
      tpu.enqueue_dma source(%arg9 : memref<3125x16xf32, #tpu.memory_space<vmem>>) target(%dma_start3A_91 : memref<3125x16xf32, #tpu.memory_space<vmem_shared>>) target_semaphore(%run_scoped3A : memref<!tpu.dma_semaphore, #tpu.memory_space<semaphore_mem>>)
      %dma_wait3A_92 = arith.constant 0 : i32
      %dma_wait3A_93 = tpu.memref_slice %arg10[%mul3A_5, %dma_wait3A_92] : memref<50000x16xf32, #tpu.memory_space<vmem_shared>> -> memref<3125x16xf32, #tpu.memory_space<vmem_shared>>
      %dma_wait3A_94 = arith.constant 0 : i32
      %dma_wait3A_95 = tpu.memref_slice %arg10[%mul3A_5, %dma_wait3A_94] : memref<50000x16xf32, #tpu.memory_space<vmem_shared>> -> memref<3125x16xf32, #tpu.memory_space<vmem_shared>>
      tpu.wait_dma2 semaphore(%run_scoped3A : memref<!tpu.dma_semaphore, #tpu.memory_space<semaphore_mem>>) src(%arg9 : memref<3125x16xf32, #tpu.memory_space<vmem>>) dst(%dma_wait3A_95 : memref<3125x16xf32, #tpu.memory_space<vmem_shared>>)
      tpu.yield
    }) : () -> ()
    %barrier3A = arith.constant 0 : index
    tpu.barrier barrier_id(%barrier3A)
    %mul3A_6 = arith.constant 3125 : i32
    %mul3A_7 = arith.muli %arg0, %mul3A_6 : i32
    %add3A = arith.constant 0 : i32
    %add3A_8 = arith.addi %add3A, %arg1 : i32
    %min3A = arith.constant 3124 : i32
    %min3A_9 = arith.minsi %add3A_8, %min3A : i32
    %add3A_10 = arith.addi %mul3A_7, %min3A_9 : i32
    %dma_start3A = arith.constant 0 : i32
    %dma_start3A_11 = tpu.memref_slice %arg2[%add3A_10, %dma_start3A] : memref<6250x128xi32, #tpu.memory_space<hbm>> -> memref<1x128xi32, #tpu.memory_space<hbm>>
    %dma_start3A_12 = tpu.memref_squeeze %dma_start3A_11 : memref<1x128xi32, #tpu.memory_space<hbm>> -> memref<128xi32, #tpu.memory_space<hbm>>
    %dma_start3A_13 = arith.constant 0 : i32
    %dma_start3A_14 = tpu.memref_slice %arg2[%add3A_10, %dma_start3A_13] : memref<6250x128xi32, #tpu.memory_space<hbm>> -> memref<1x128xi32, #tpu.memory_space<hbm>>
    %dma_start3A_15 = tpu.memref_squeeze %dma_start3A_14 : memref<1x128xi32, #tpu.memory_space<hbm>> -> memref<128xi32, #tpu.memory_space<hbm>>
    tpu.enqueue_dma source(%dma_start3A_15 : memref<128xi32, #tpu.memory_space<hbm>>) target(%arg5 : memref<128xi32, #tpu.memory_space<vmem>>) target_semaphore(%arg11 : memref<!tpu.dma_semaphore, #tpu.memory_space<semaphore_mem>>)
    %dma_start3A_16 = arith.constant 0 : i32
    %dma_start3A_17 = arith.constant 0 : i32
    %dma_start3A_18 = tpu.memref_slice %arg3[%add3A_10, %dma_start3A_16, %dma_start3A_17] : memref<6250x128x16xf32, #tpu.memory_space<hbm>> -> memref<1x128x16xf32, #tpu.memory_space<hbm>>
    %dma_start3A_19 = tpu.memref_squeeze %dma_start3A_18 : memref<1x128x16xf32, #tpu.memory_space<hbm>> -> memref<128x16xf32, #tpu.memory_space<hbm>>
    %dma_start3A_20 = arith.constant 0 : i32
    %dma_start3A_21 = arith.constant 0 : i32
    %dma_start3A_22 = tpu.memref_slice %arg3[%add3A_10, %dma_start3A_20, %dma_start3A_21] : memref<6250x128x16xf32, #tpu.memory_space<hbm>> -> memref<1x128x16xf32, #tpu.memory_space<hbm>>
    %dma_start3A_23 = tpu.memref_squeeze %dma_start3A_22 : memref<1x128x16xf32, #tpu.memory_space<hbm>> -> memref<128x16xf32, #tpu.memory_space<hbm>>
    tpu.enqueue_dma source(%dma_start3A_23 : memref<128x16xf32, #tpu.memory_space<hbm>>) target(%arg7 : memref<128x16xf32, #tpu.memory_space<vmem>>) target_semaphore(%arg13 : memref<!tpu.dma_semaphore, #tpu.memory_space<semaphore_mem>>)
    %mul3A_24 = arith.constant 3125 : i32
    %mul3A_25 = arith.muli %arg0, %mul3A_24 : i32
    %add3A_26 = arith.constant 16 : i32
    %add3A_27 = arith.addi %add3A_26, %arg1 : i32
    %min3A_28 = arith.constant 3124 : i32
    %min3A_29 = arith.minsi %add3A_27, %min3A_28 : i32
    %add3A_30 = arith.addi %mul3A_25, %min3A_29 : i32
    %dma_start3A_31 = arith.constant 0 : i32
    %dma_start3A_32 = tpu.memref_slice %arg2[%add3A_30, %dma_start3A_31] : memref<6250x128xi32, #tpu.memory_space<hbm>> -> memref<1x128xi32, #tpu.memory_space<hbm>>
    %dma_start3A_33 = tpu.memref_squeeze %dma_start3A_32 : memref<1x128xi32, #tpu.memory_space<hbm>> -> memref<128xi32, #tpu.memory_space<hbm>>
    %dma_start3A_34 = arith.constant 0 : i32
    %dma_start3A_35 = tpu.memref_slice %arg2[%add3A_30, %dma_start3A_34] : memref<6250x128xi32, #tpu.memory_space<hbm>> -> memref<1x128xi32, #tpu.memory_space<hbm>>
    %dma_start3A_36 = tpu.memref_squeeze %dma_start3A_35 : memref<1x128xi32, #tpu.memory_space<hbm>> -> memref<128xi32, #tpu.memory_space<hbm>>
    tpu.enqueue_dma source(%dma_start3A_36 : memref<128xi32, #tpu.memory_space<hbm>>) target(%arg6 : memref<128xi32, #tpu.memory_space<vmem>>) target_semaphore(%arg12 : memref<!tpu.dma_semaphore, #tpu.memory_space<semaphore_mem>>)
    %dma_start3A_37 = arith.constant 0 : i32
    %dma_start3A_38 = arith.constant 0 : i32
    %dma_start3A_39 = tpu.memref_slice %arg3[%add3A_30, %dma_start3A_37, %dma_start3A_38] : memref<6250x128x16xf32, #tpu.memory_space<hbm>> -> memref<1x128x16xf32, #tpu.memory_space<hbm>>
    %dma_start3A_40 = tpu.memref_squeeze %dma_start3A_39 : memref<1x128x16xf32, #tpu.memory_space<hbm>> -> memref<128x16xf32, #tpu.memory_space<hbm>>
    %dma_start3A_41 = arith.constant 0 : i32
    %dma_start3A_42 = arith.constant 0 : i32
    %dma_start3A_43 = tpu.memref_slice %arg3[%add3A_30, %dma_start3A_41, %dma_start3A_42] : memref<6250x128x16xf32, #tpu.memory_space<hbm>> -> memref<1x128x16xf32, #tpu.memory_space<hbm>>
    %dma_start3A_44 = tpu.memref_squeeze %dma_start3A_43 : memref<1x128x16xf32, #tpu.memory_space<hbm>> -> memref<128x16xf32, #tpu.memory_space<hbm>>
    tpu.enqueue_dma source(%dma_start3A_44 : memref<128x16xf32, #tpu.memory_space<hbm>>) target(%arg8 : memref<128x16xf32, #tpu.memory_space<vmem>>) target_semaphore(%arg14 : memref<!tpu.dma_semaphore, #tpu.memory_space<semaphore_mem>>)
    %scan3A_45 = arith.constant 0 : i32
    %scan3A_46 = arith.constant 0 : i32
    %scan3A_47 = arith.constant 98 : i32
    %scan3A_48 = arith.addi %scan3A_46, %scan3A_47 : i32
    %scan3A_49 = arith.constant 1 : i32
    scf.for %scan3A_88 = %scan3A_46 to %scan3A_48 step %scan3A_49  : i32 {
      %mul3A_89 = arith.constant 2 : i32
      %mul3A_90 = arith.muli %scan3A_88, %mul3A_89 : i32
      %add3A_91 = arith.constant 0 : i32
      %add3A_92 = arith.addi %mul3A_90, %add3A_91 : i32
      %dma_wait3A_93 = arith.constant 0 : i32
      %dma_wait3A_94 = arith.constant 0 : i32
      %dma_wait3A_95 = tpu.memref_slice %arg2[%dma_wait3A_93, %dma_wait3A_94] : memref<6250x128xi32, #tpu.memory_space<hbm>> -> memref<1x128xi32, #tpu.memory_space<hbm>>
      %dma_wait3A_96 = tpu.memref_squeeze %dma_wait3A_95 : memref<1x128xi32, #tpu.memory_space<hbm>> -> memref<128xi32, #tpu.memory_space<hbm>>
      %dma_wait3A_97 = arith.constant 0 : i32
      %dma_wait3A_98 = tpu.memref_slice %arg2[%dma_wait3A_93, %dma_wait3A_97] : memref<6250x128xi32, #tpu.memory_space<hbm>> -> memref<1x128xi32, #tpu.memory_space<hbm>>
      %dma_wait3A_99 = tpu.memref_squeeze %dma_wait3A_98 : memref<1x128xi32, #tpu.memory_space<hbm>> -> memref<128xi32, #tpu.memory_space<hbm>>
      tpu.wait_dma2 semaphore(%arg11 : memref<!tpu.dma_semaphore, #tpu.memory_space<semaphore_mem>>) src(%dma_wait3A_99 : memref<128xi32, #tpu.memory_space<hbm>>) dst(%arg5 : memref<128xi32, #tpu.memory_space<vmem>>)
      %dma_wait3A_100 = arith.constant 0 : i32
      %dma_wait3A_101 = arith.constant 0 : i32
      %dma_wait3A_102 = arith.constant 0 : i32
      %dma_wait3A_103 = tpu.memref_slice %arg3[%dma_wait3A_100, %dma_wait3A_101, %dma_wait3A_102] : memref<6250x128x16xf32, #tpu.memory_space<hbm>> -> memref<1x128x16xf32, #tpu.memory_space<hbm>>
      %dma_wait3A_104 = tpu.memref_squeeze %dma_wait3A_103 : memref<1x128x16xf32, #tpu.memory_space<hbm>> -> memref<128x16xf32, #tpu.memory_space<hbm>>
      %dma_wait3A_105 = arith.constant 0 : i32
      %dma_wait3A_106 = arith.constant 0 : i32
      %dma_wait3A_107 = tpu.memref_slice %arg3[%dma_wait3A_100, %dma_wait3A_105, %dma_wait3A_106] : memref<6250x128x16xf32, #tpu.memory_space<hbm>> -> memref<1x128x16xf32, #tpu.memory_space<hbm>>
      %dma_wait3A_108 = tpu.memref_squeeze %dma_wait3A_107 : memref<1x128x16xf32, #tpu.memory_space<hbm>> -> memref<128x16xf32, #tpu.memory_space<hbm>>
      tpu.wait_dma2 semaphore(%arg13 : memref<!tpu.dma_semaphore, #tpu.memory_space<semaphore_mem>>) src(%dma_wait3A_108 : memref<128x16xf32, #tpu.memory_space<hbm>>) dst(%arg7 : memref<128x16xf32, #tpu.memory_space<vmem>>)
      %mul3A_109 = arith.constant 16 : i32
      %mul3A_110 = arith.muli %add3A_92, %mul3A_109 : i32
      %add3A_111 = arith.addi %mul3A_110, %arg1 : i32
      %lt3A = arith.constant 3125 : i32
      %lt3A_112 = arith.cmpi slt, %add3A_111, %lt3A : i32
      %convert_element_type3A = arith.extui %lt3A_112 : i1 to i32
      %cond3A = arith.constant 0 : i32
      %cond3A_113 = arith.cmpi ne, %convert_element_type3A, %cond3A : i32
      scf.if %cond3A_113 {
        "tpu.region"() ({
          %run_scoped3A = tpu.sem_alloc : memref<!tpu.dma_semaphore, #tpu.memory_space<semaphore_mem>>
          %dma_start3A_190 = arith.constant 0 : i32
          %dma_start3A_191 = arith.constant 0 : i32
          %dma_start3A_192 = tpu.memref_slice %arg10[%dma_start3A_190, %dma_start3A_191] : memref<50000x16xf32, #tpu.memory_space<vmem_shared>> -> memref<50000x16xf32, #tpu.memory_space<vmem_shared>>
          tpu.enqueue_indirect_dma source(%arg7 : memref<128x16xf32, #tpu.memory_space<vmem>>) target(%dma_start3A_192 : memref<50000x16xf32, #tpu.memory_space<vmem_shared>>) offsets(%arg5 : memref<128xi32, #tpu.memory_space<vmem>>) semaphore(%run_scoped3A : memref<!tpu.dma_semaphore, #tpu.memory_space<semaphore_mem>>) {add = true}
          %dma_wait3A_193 = arith.constant 0 : i32
          %dma_wait3A_194 = arith.constant 0 : i32
          %dma_wait3A_195 = tpu.memref_slice %arg10[%dma_wait3A_193, %dma_wait3A_194] : memref<50000x16xf32, #tpu.memory_space<vmem_shared>> -> memref<50000x16xf32, #tpu.memory_space<vmem_shared>>
          tpu.wait_indirect_dma semaphore(%run_scoped3A : memref<!tpu.dma_semaphore, #tpu.memory_space<semaphore_mem>>) src(%arg7 : memref<128x16xf32, #tpu.memory_space<vmem>>) dst(%dma_wait3A_195 : memref<50000x16xf32, #tpu.memory_space<vmem_shared>>)
          tpu.yield
        }) : () -> ()
      } else {
      }
      %add3A_114 = arith.constant 2 : i32
      %add3A_115 = arith.addi %add3A_92, %add3A_114 : i32
      %mul3A_116 = arith.constant 3125 : i32
      %mul3A_117 = arith.muli %arg0, %mul3A_116 : i32
      %mul3A_118 = arith.constant 16 : i32
      %mul3A_119 = arith.muli %add3A_115, %mul3A_118 : i32
      %add3A_120 = arith.addi %mul3A_119, %arg1 : i32
      %min3A_121 = arith.constant 3124 : i32
      %min3A_122 = arith.minsi %add3A_120, %min3A_121 : i32
      %add3A_123 = arith.addi %mul3A_117, %min3A_122 : i32
      %dma_start3A_124 = arith.constant 0 : i32
      %dma_start3A_125 = tpu.memref_slice %arg2[%add3A_123, %dma_start3A_124] : memref<6250x128xi32, #tpu.memory_space<hbm>> -> memref<1x128xi32, #tpu.memory_space<hbm>>
      %dma_start3A_126 = tpu.memref_squeeze %dma_start3A_125 : memref<1x128xi32, #tpu.memory_space<hbm>> -> memref<128xi32, #tpu.memory_space<hbm>>
      %dma_start3A_127 = arith.constant 0 : i32
      %dma_start3A_128 = tpu.memref_slice %arg2[%add3A_123, %dma_start3A_127] : memref<6250x128xi32, #tpu.memory_space<hbm>> -> memref<1x128xi32, #tpu.memory_space<hbm>>
      %dma_start3A_129 = tpu.memref_squeeze %dma_start3A_128 : memref<1x128xi32, #tpu.memory_space<hbm>> -> memref<128xi32, #tpu.memory_space<hbm>>
      tpu.enqueue_dma source(%dma_start3A_129 : memref<128xi32, #tpu.memory_space<hbm>>) target(%arg5 : memref<128xi32, #tpu.memory_space<vmem>>) target_semaphore(%arg11 : memref<!tpu.dma_semaphore, #tpu.memory_space<semaphore_mem>>)
      %dma_start3A_130 = arith.constant 0 : i32
      %dma_start3A_131 = arith.constant 0 : i32
      %dma_start3A_132 = tpu.memref_slice %arg3[%add3A_123, %dma_start3A_130, %dma_start3A_131] : memref<6250x128x16xf32, #tpu.memory_space<hbm>> -> memref<1x128x16xf32, #tpu.memory_space<hbm>>
      %dma_start3A_133 = tpu.memref_squeeze %dma_start3A_132 : memref<1x128x16xf32, #tpu.memory_space<hbm>> -> memref<128x16xf32, #tpu.memory_space<hbm>>
      %dma_start3A_134 = arith.constant 0 : i32
      %dma_start3A_135 = arith.constant 0 : i32
      %dma_start3A_136 = tpu.memref_slice %arg3[%add3A_123, %dma_start3A_134, %dma_start3A_135] : memref<6250x128x16xf32, #tpu.memory_space<hbm>> -> memref<1x128x16xf32, #tpu.memory_space<hbm>>
      %dma_start3A_137 = tpu.memref_squeeze %dma_start3A_136 : memref<1x128x16xf32, #tpu.memory_space<hbm>> -> memref<128x16xf32, #tpu.memory_space<hbm>>
      tpu.enqueue_dma source(%dma_start3A_137 : memref<128x16xf32, #tpu.memory_space<hbm>>) target(%arg7 : memref<128x16xf32, #tpu.memory_space<vmem>>) target_semaphore(%arg13 : memref<!tpu.dma_semaphore, #tpu.memory_space<semaphore_mem>>)
      %mul3A_138 = arith.constant 2 : i32
      %mul3A_139 = arith.muli %scan3A_88, %mul3A_138 : i32
      %add3A_140 = arith.constant 1 : i32
      %add3A_141 = arith.addi %mul3A_139, %add3A_140 : i32
      %dma_wait3A_142 = arith.constant 0 : i32
      %dma_wait3A_143 = arith.constant 0 : i32
      %dma_wait3A_144 = tpu.memref_slice %arg2[%dma_wait3A_142, %dma_wait3A_143] : memref<6250x128xi32, #tpu.memory_space<hbm>> -> memref<1x128xi32, #tpu.memory_space<hbm>>
      %dma_wait3A_145 = tpu.memref_squeeze %dma_wait3A_144 : memref<1x128xi32, #tpu.memory_space<hbm>> -> memref<128xi32, #tpu.memory_space<hbm>>
      %dma_wait3A_146 = arith.constant 0 : i32
      %dma_wait3A_147 = tpu.memref_slice %arg2[%dma_wait3A_142, %dma_wait3A_146] : memref<6250x128xi32, #tpu.memory_space<hbm>> -> memref<1x128xi32, #tpu.memory_space<hbm>>
      %dma_wait3A_148 = tpu.memref_squeeze %dma_wait3A_147 : memref<1x128xi32, #tpu.memory_space<hbm>> -> memref<128xi32, #tpu.memory_space<hbm>>
      tpu.wait_dma2 semaphore(%arg12 : memref<!tpu.dma_semaphore, #tpu.memory_space<semaphore_mem>>) src(%dma_wait3A_148 : memref<128xi32, #tpu.memory_space<hbm>>) dst(%arg6 : memref<128xi32, #tpu.memory_space<vmem>>)
      %dma_wait3A_149 = arith.constant 0 : i32
      %dma_wait3A_150 = arith.constant 0 : i32
      %dma_wait3A_151 = arith.constant 0 : i32
      %dma_wait3A_152 = tpu.memref_slice %arg3[%dma_wait3A_149, %dma_wait3A_150, %dma_wait3A_151] : memref<6250x128x16xf32, #tpu.memory_space<hbm>> -> memref<1x128x16xf32, #tpu.memory_space<hbm>>
      %dma_wait3A_153 = tpu.memref_squeeze %dma_wait3A_152 : memref<1x128x16xf32, #tpu.memory_space<hbm>> -> memref<128x16xf32, #tpu.memory_space<hbm>>
      %dma_wait3A_154 = arith.constant 0 : i32
      %dma_wait3A_155 = arith.constant 0 : i32
      %dma_wait3A_156 = tpu.memref_slice %arg3[%dma_wait3A_149, %dma_wait3A_154, %dma_wait3A_155] : memref<6250x128x16xf32, #tpu.memory_space<hbm>> -> memref<1x128x16xf32, #tpu.memory_space<hbm>>
      %dma_wait3A_157 = tpu.memref_squeeze %dma_wait3A_156 : memref<1x128x16xf32, #tpu.memory_space<hbm>> -> memref<128x16xf32, #tpu.memory_space<hbm>>
      tpu.wait_dma2 semaphore(%arg14 : memref<!tpu.dma_semaphore, #tpu.memory_space<semaphore_mem>>) src(%dma_wait3A_157 : memref<128x16xf32, #tpu.memory_space<hbm>>) dst(%arg8 : memref<128x16xf32, #tpu.memory_space<vmem>>)
      %mul3A_158 = arith.constant 16 : i32
      %mul3A_159 = arith.muli %add3A_141, %mul3A_158 : i32
      %add3A_160 = arith.addi %mul3A_159, %arg1 : i32
      %lt3A_161 = arith.constant 3125 : i32
      %lt3A_162 = arith.cmpi slt, %add3A_160, %lt3A_161 : i32
      %convert_element_type3A_163 = arith.extui %lt3A_162 : i1 to i32
      %cond3A_164 = arith.constant 0 : i32
      %cond3A_165 = arith.cmpi ne, %convert_element_type3A_163, %cond3A_164 : i32
      scf.if %cond3A_165 {
        "tpu.region"() ({
          %run_scoped3A = tpu.sem_alloc : memref<!tpu.dma_semaphore, #tpu.memory_space<semaphore_mem>>
          %dma_start3A_190 = arith.constant 0 : i32
          %dma_start3A_191 = arith.constant 0 : i32
          %dma_start3A_192 = tpu.memref_slice %arg10[%dma_start3A_190, %dma_start3A_191] : memref<50000x16xf32, #tpu.memory_space<vmem_shared>> -> memref<50000x16xf32, #tpu.memory_space<vmem_shared>>
          tpu.enqueue_indirect_dma source(%arg8 : memref<128x16xf32, #tpu.memory_space<vmem>>) target(%dma_start3A_192 : memref<50000x16xf32, #tpu.memory_space<vmem_shared>>) offsets(%arg6 : memref<128xi32, #tpu.memory_space<vmem>>) semaphore(%run_scoped3A : memref<!tpu.dma_semaphore, #tpu.memory_space<semaphore_mem>>) {add = true}
          %dma_wait3A_193 = arith.constant 0 : i32
          %dma_wait3A_194 = arith.constant 0 : i32
          %dma_wait3A_195 = tpu.memref_slice %arg10[%dma_wait3A_193, %dma_wait3A_194] : memref<50000x16xf32, #tpu.memory_space<vmem_shared>> -> memref<50000x16xf32, #tpu.memory_space<vmem_shared>>
          tpu.wait_indirect_dma semaphore(%run_scoped3A : memref<!tpu.dma_semaphore, #tpu.memory_space<semaphore_mem>>) src(%arg8 : memref<128x16xf32, #tpu.memory_space<vmem>>) dst(%dma_wait3A_195 : memref<50000x16xf32, #tpu.memory_space<vmem_shared>>)
          tpu.yield
        }) : () -> ()
      } else {
      }
      %add3A_166 = arith.constant 2 : i32
      %add3A_167 = arith.addi %add3A_141, %add3A_166 : i32
      %mul3A_168 = arith.constant 3125 : i32
      %mul3A_169 = arith.muli %arg0, %mul3A_168 : i32
      %mul3A_170 = arith.constant 16 : i32
      %mul3A_171 = arith.muli %add3A_167, %mul3A_170 : i32
      %add3A_172 = arith.addi %mul3A_171, %arg1 : i32
      %min3A_173 = arith.constant 3124 : i32
      %min3A_174 = arith.minsi %add3A_172, %min3A_173 : i32
      %add3A_175 = arith.addi %mul3A_169, %min3A_174 : i32
      %dma_start3A_176 = arith.constant 0 : i32
      %dma_start3A_177 = tpu.memref_slice %arg2[%add3A_175, %dma_start3A_176] : memref<6250x128xi32, #tpu.memory_space<hbm>> -> memref<1x128xi32, #tpu.memory_space<hbm>>
      %dma_start3A_178 = tpu.memref_squeeze %dma_start3A_177 : memref<1x128xi32, #tpu.memory_space<hbm>> -> memref<128xi32, #tpu.memory_space<hbm>>
      %dma_start3A_179 = arith.constant 0 : i32
      %dma_start3A_180 = tpu.memref_slice %arg2[%add3A_175, %dma_start3A_179] : memref<6250x128xi32, #tpu.memory_space<hbm>> -> memref<1x128xi32, #tpu.memory_space<hbm>>
      %dma_start3A_181 = tpu.memref_squeeze %dma_start3A_180 : memref<1x128xi32, #tpu.memory_space<hbm>> -> memref<128xi32, #tpu.memory_space<hbm>>
      tpu.enqueue_dma source(%dma_start3A_181 : memref<128xi32, #tpu.memory_space<hbm>>) target(%arg6 : memref<128xi32, #tpu.memory_space<vmem>>) target_semaphore(%arg12 : memref<!tpu.dma_semaphore, #tpu.memory_space<semaphore_mem>>)
      %dma_start3A_182 = arith.constant 0 : i32
      %dma_start3A_183 = arith.constant 0 : i32
      %dma_start3A_184 = tpu.memref_slice %arg3[%add3A_175, %dma_start3A_182, %dma_start3A_183] : memref<6250x128x16xf32, #tpu.memory_space<hbm>> -> memref<1x128x16xf32, #tpu.memory_space<hbm>>
      %dma_start3A_185 = tpu.memref_squeeze %dma_start3A_184 : memref<1x128x16xf32, #tpu.memory_space<hbm>> -> memref<128x16xf32, #tpu.memory_space<hbm>>
      %dma_start3A_186 = arith.constant 0 : i32
      %dma_start3A_187 = arith.constant 0 : i32
      %dma_start3A_188 = tpu.memref_slice %arg3[%add3A_175, %dma_start3A_186, %dma_start3A_187] : memref<6250x128x16xf32, #tpu.memory_space<hbm>> -> memref<1x128x16xf32, #tpu.memory_space<hbm>>
      %dma_start3A_189 = tpu.memref_squeeze %dma_start3A_188 : memref<1x128x16xf32, #tpu.memory_space<hbm>> -> memref<128x16xf32, #tpu.memory_space<hbm>>
      tpu.enqueue_dma source(%dma_start3A_189 : memref<128x16xf32, #tpu.memory_space<hbm>>) target(%arg8 : memref<128x16xf32, #tpu.memory_space<vmem>>) target_semaphore(%arg14 : memref<!tpu.dma_semaphore, #tpu.memory_space<semaphore_mem>>)
    }
    %scan3A_50 = arith.constant 98 : i32
    %dma_wait3A = arith.constant 0 : i32
    %dma_wait3A_51 = arith.constant 0 : i32
    %dma_wait3A_52 = tpu.memref_slice %arg2[%dma_wait3A, %dma_wait3A_51] : memref<6250x128xi32, #tpu.memory_space<hbm>> -> memref<1x128xi32, #tpu.memory_space<hbm>>
    %dma_wait3A_53 = tpu.memref_squeeze %dma_wait3A_52 : memref<1x128xi32, #tpu.memory_space<hbm>> -> memref<128xi32, #tpu.memory_space<hbm>>
    %dma_wait3A_54 = arith.constant 0 : i32
    %dma_wait3A_55 = tpu.memref_slice %arg2[%dma_wait3A, %dma_wait3A_54] : memref<6250x128xi32, #tpu.memory_space<hbm>> -> memref<1x128xi32, #tpu.memory_space<hbm>>
    %dma_wait3A_56 = tpu.memref_squeeze %dma_wait3A_55 : memref<1x128xi32, #tpu.memory_space<hbm>> -> memref<128xi32, #tpu.memory_space<hbm>>
    tpu.wait_dma2 semaphore(%arg11 : memref<!tpu.dma_semaphore, #tpu.memory_space<semaphore_mem>>) src(%dma_wait3A_56 : memref<128xi32, #tpu.memory_space<hbm>>) dst(%arg5 : memref<128xi32, #tpu.memory_space<vmem>>)
    %dma_wait3A_57 = arith.constant 0 : i32
    %dma_wait3A_58 = arith.constant 0 : i32
    %dma_wait3A_59 = arith.constant 0 : i32
    %dma_wait3A_60 = tpu.memref_slice %arg3[%dma_wait3A_57, %dma_wait3A_58, %dma_wait3A_59] : memref<6250x128x16xf32, #tpu.memory_space<hbm>> -> memref<1x128x16xf32, #tpu.memory_space<hbm>>
    %dma_wait3A_61 = tpu.memref_squeeze %dma_wait3A_60 : memref<1x128x16xf32, #tpu.memory_space<hbm>> -> memref<128x16xf32, #tpu.memory_space<hbm>>
    %dma_wait3A_62 = arith.constant 0 : i32
    %dma_wait3A_63 = arith.constant 0 : i32
    %dma_wait3A_64 = tpu.memref_slice %arg3[%dma_wait3A_57, %dma_wait3A_62, %dma_wait3A_63] : memref<6250x128x16xf32, #tpu.memory_space<hbm>> -> memref<1x128x16xf32, #tpu.memory_space<hbm>>
    %dma_wait3A_65 = tpu.memref_squeeze %dma_wait3A_64 : memref<1x128x16xf32, #tpu.memory_space<hbm>> -> memref<128x16xf32, #tpu.memory_space<hbm>>
    tpu.wait_dma2 semaphore(%arg13 : memref<!tpu.dma_semaphore, #tpu.memory_space<semaphore_mem>>) src(%dma_wait3A_65 : memref<128x16xf32, #tpu.memory_space<hbm>>) dst(%arg7 : memref<128x16xf32, #tpu.memory_space<vmem>>)
    %dma_wait3A_66 = arith.constant 0 : i32
    %dma_wait3A_67 = arith.constant 0 : i32
    %dma_wait3A_68 = tpu.memref_slice %arg2[%dma_wait3A_66, %dma_wait3A_67] : memref<6250x128xi32, #tpu.memory_space<hbm>> -> memref<1x128xi32, #tpu.memory_space<hbm>>
    %dma_wait3A_69 = tpu.memref_squeeze %dma_wait3A_68 : memref<1x128xi32, #tpu.memory_space<hbm>> -> memref<128xi32, #tpu.memory_space<hbm>>
    %dma_wait3A_70 = arith.constant 0 : i32
    %dma_wait3A_71 = tpu.memref_slice %arg2[%dma_wait3A_66, %dma_wait3A_70] : memref<6250x128xi32, #tpu.memory_space<hbm>> -> memref<1x128xi32, #tpu.memory_space<hbm>>
    %dma_wait3A_72 = tpu.memref_squeeze %dma_wait3A_71 : memref<1x128xi32, #tpu.memory_space<hbm>> -> memref<128xi32, #tpu.memory_space<hbm>>
    tpu.wait_dma2 semaphore(%arg12 : memref<!tpu.dma_semaphore, #tpu.memory_space<semaphore_mem>>) src(%dma_wait3A_72 : memref<128xi32, #tpu.memory_space<hbm>>) dst(%arg6 : memref<128xi32, #tpu.memory_space<vmem>>)
    %dma_wait3A_73 = arith.constant 0 : i32
    %dma_wait3A_74 = arith.constant 0 : i32
    %dma_wait3A_75 = arith.constant 0 : i32
    %dma_wait3A_76 = tpu.memref_slice %arg3[%dma_wait3A_73, %dma_wait3A_74, %dma_wait3A_75] : memref<6250x128x16xf32, #tpu.memory_space<hbm>> -> memref<1x128x16xf32, #tpu.memory_space<hbm>>
    %dma_wait3A_77 = tpu.memref_squeeze %dma_wait3A_76 : memref<1x128x16xf32, #tpu.memory_space<hbm>> -> memref<128x16xf32, #tpu.memory_space<hbm>>
    %dma_wait3A_78 = arith.constant 0 : i32
    %dma_wait3A_79 = arith.constant 0 : i32
    %dma_wait3A_80 = tpu.memref_slice %arg3[%dma_wait3A_73, %dma_wait3A_78, %dma_wait3A_79] : memref<6250x128x16xf32, #tpu.memory_space<hbm>> -> memref<1x128x16xf32, #tpu.memory_space<hbm>>
    %dma_wait3A_81 = tpu.memref_squeeze %dma_wait3A_80 : memref<1x128x16xf32, #tpu.memory_space<hbm>> -> memref<128x16xf32, #tpu.memory_space<hbm>>
    tpu.wait_dma2 semaphore(%arg14 : memref<!tpu.dma_semaphore, #tpu.memory_space<semaphore_mem>>) src(%dma_wait3A_81 : memref<128x16xf32, #tpu.memory_space<hbm>>) dst(%arg8 : memref<128x16xf32, #tpu.memory_space<vmem>>)
    %barrier3A_82 = arith.constant 0 : index
    tpu.barrier barrier_id(%barrier3A_82)
    %mul3A_83 = arith.constant 3125 : i32
    %mul3A_84 = arith.muli %arg1, %mul3A_83 : i32
    "tpu.region"() ({
      %run_scoped3A = tpu.sem_alloc : memref<!tpu.dma_semaphore, #tpu.memory_space<semaphore_mem>>
      %dma_start3A_88 = arith.constant 0 : i32
      %dma_start3A_89 = tpu.memref_slice %arg10[%mul3A_84, %dma_start3A_88] : memref<50000x16xf32, #tpu.memory_space<vmem_shared>> -> memref<3125x16xf32, #tpu.memory_space<vmem_shared>>
      %dma_start3A_90 = arith.constant 0 : i32
      %dma_start3A_91 = tpu.memref_slice %arg10[%mul3A_84, %dma_start3A_90] : memref<50000x16xf32, #tpu.memory_space<vmem_shared>> -> memref<3125x16xf32, #tpu.memory_space<vmem_shared>>
      tpu.enqueue_dma source(%dma_start3A_91 : memref<3125x16xf32, #tpu.memory_space<vmem_shared>>) target(%arg9 : memref<3125x16xf32, #tpu.memory_space<vmem>>) target_semaphore(%run_scoped3A : memref<!tpu.dma_semaphore, #tpu.memory_space<semaphore_mem>>)
      %dma_wait3A_92 = arith.constant 0 : i32
      %dma_wait3A_93 = tpu.memref_slice %arg10[%mul3A_84, %dma_wait3A_92] : memref<50000x16xf32, #tpu.memory_space<vmem_shared>> -> memref<3125x16xf32, #tpu.memory_space<vmem_shared>>
      %dma_wait3A_94 = arith.constant 0 : i32
      %dma_wait3A_95 = tpu.memref_slice %arg10[%mul3A_84, %dma_wait3A_94] : memref<50000x16xf32, #tpu.memory_space<vmem_shared>> -> memref<3125x16xf32, #tpu.memory_space<vmem_shared>>
      tpu.wait_dma2 semaphore(%run_scoped3A : memref<!tpu.dma_semaphore, #tpu.memory_space<semaphore_mem>>) src(%dma_wait3A_95 : memref<3125x16xf32, #tpu.memory_space<vmem_shared>>) dst(%arg9 : memref<3125x16xf32, #tpu.memory_space<vmem>>)
      tpu.yield
    }) : () -> ()
    %mul3A_85 = arith.constant 16 : i32
    %mul3A_86 = arith.muli %arg0, %mul3A_85 : i32
    %add3A_87 = arith.addi %mul3A_86, %arg1 : i32
    "tpu.region"() ({
      %run_scoped3A = tpu.sem_alloc : memref<!tpu.dma_semaphore, #tpu.memory_space<semaphore_mem>>
      %dma_start3A_88 = arith.constant 0 : i32
      %dma_start3A_89 = arith.constant 0 : i32
      %dma_start3A_90 = tpu.memref_slice %arg4[%add3A_87, %dma_start3A_88, %dma_start3A_89] : memref<32x3125x16xf32, #tpu.memory_space<hbm>> -> memref<1x3125x16xf32, #tpu.memory_space<hbm>>
      %dma_start3A_91 = tpu.memref_squeeze %dma_start3A_90 : memref<1x3125x16xf32, #tpu.memory_space<hbm>> -> memref<3125x16xf32, #tpu.memory_space<hbm>>
      %dma_start3A_92 = arith.constant 0 : i32
      %dma_start3A_93 = arith.constant 0 : i32
      %dma_start3A_94 = tpu.memref_slice %arg4[%add3A_87, %dma_start3A_92, %dma_start3A_93] : memref<32x3125x16xf32, #tpu.memory_space<hbm>> -> memref<1x3125x16xf32, #tpu.memory_space<hbm>>
      %dma_start3A_95 = tpu.memref_squeeze %dma_start3A_94 : memref<1x3125x16xf32, #tpu.memory_space<hbm>> -> memref<3125x16xf32, #tpu.memory_space<hbm>>
      tpu.enqueue_dma source(%arg9 : memref<3125x16xf32, #tpu.memory_space<vmem>>) target(%dma_start3A_95 : memref<3125x16xf32, #tpu.memory_space<hbm>>) target_semaphore(%run_scoped3A : memref<!tpu.dma_semaphore, #tpu.memory_space<semaphore_mem>>)
      %dma_wait3A_96 = arith.constant 0 : i32
      %dma_wait3A_97 = arith.constant 0 : i32
      %dma_wait3A_98 = tpu.memref_slice %arg4[%add3A_87, %dma_wait3A_96, %dma_wait3A_97] : memref<32x3125x16xf32, #tpu.memory_space<hbm>> -> memref<1x3125x16xf32, #tpu.memory_space<hbm>>
      %dma_wait3A_99 = tpu.memref_squeeze %dma_wait3A_98 : memref<1x3125x16xf32, #tpu.memory_space<hbm>> -> memref<3125x16xf32, #tpu.memory_space<hbm>>
      %dma_wait3A_100 = arith.constant 0 : i32
      %dma_wait3A_101 = arith.constant 0 : i32
      %dma_wait3A_102 = tpu.memref_slice %arg4[%add3A_87, %dma_wait3A_100, %dma_wait3A_101] : memref<32x3125x16xf32, #tpu.memory_space<hbm>> -> memref<1x3125x16xf32, #tpu.memory_space<hbm>>
      %dma_wait3A_103 = tpu.memref_squeeze %dma_wait3A_102 : memref<1x3125x16xf32, #tpu.memory_space<hbm>> -> memref<3125x16xf32, #tpu.memory_space<hbm>>
      tpu.wait_dma2 semaphore(%run_scoped3A : memref<!tpu.dma_semaphore, #tpu.memory_space<semaphore_mem>>) src(%arg9 : memref<3125x16xf32, #tpu.memory_space<vmem>>) dst(%dma_wait3A_103 : memref<3125x16xf32, #tpu.memory_space<hbm>>)
      tpu.yield
    }) : () -> ()
    return
  }
}

module attributes {stable_mosaic.version = 14 : i64} {
  func.func @_payload_body(%arg0: i32, %arg1: memref<4000x128xf32, #tpu.memory_space<vmem>>, %arg2: memref<128x128xf32, #tpu.memory_space<vmem>>, %arg3: memref<4000x128xf32, #tpu.memory_space<vmem>>) attributes {dimension_semantics = [#tpu.dimension_semantics<arbitrary>], iteration_bounds = array<i64: 25>, scalar_prefetch = 0 : i64, scratch_operands = 0 : i64, tpu.core_type = #tpu.core_type<tc>, window_params = [{transform_indices = @transform_0, window_bounds = array<i64: 4000, 128>}, {pipeline_mode = #tpu.pipeline_mode<synchronous>, transform_indices = @transform_1, window_bounds = array<i64: 128, 128>}, {transform_indices = @transform_2, window_bounds = array<i64: 4000, 128>}]} {
    %get3A = arith.constant 0 : index
    %get3A_0 = arith.constant 0 : index
    %get3A_1 = vector.load %arg1[%get3A, %get3A_0] : memref<4000x128xf32, #tpu.memory_space<vmem>>, vector<4000x128xf32>
    %iota3A = tpu.iota {dimensions = array<i32: 1>} : vector<4000x128xi32>
    %jit3A = arith.constant 16 : i32
    %eq3A = arith.constant 0 : i32
    %eq3A_2 = arith.cmpi eq, %jit3A, %eq3A : i32
    %jit3A_3 = arith.constant 1 : i32
    %select_n3A = arith.select %eq3A_2, %jit3A_3, %jit3A : i32
    %rem3A = vector.broadcast %select_n3A : i32 to vector<4000x128xi32>
    %rem3A_4 = arith.remsi %iota3A, %rem3A : vector<4000x128xi32>
    %ne3A = arith.constant 0 : i32
    %ne3A_5 = vector.broadcast %ne3A : i32 to vector<4000x128xi32>
    %ne3A_6 = arith.cmpi ne, %rem3A_4, %ne3A_5 : vector<4000x128xi32>
    %lt3A = arith.constant 0 : i32
    %lt3A_7 = vector.broadcast %lt3A : i32 to vector<4000x128xi32>
    %lt3A_8 = arith.cmpi slt, %rem3A_4, %lt3A_7 : vector<4000x128xi32>
    %lt3A_9 = arith.constant 0 : i32
    %lt3A_10 = arith.cmpi slt, %select_n3A, %lt3A_9 : i32
    %ne3A_11 = vector.broadcast %lt3A_10 : i1 to vector<4000x128xi1>
    %ne3A_12 = vector.broadcast %ne3A_11 : vector<4000x128xi1> to vector<4000x128xi1>
    %ne3A_13 = arith.xori %lt3A_8, %ne3A_12 : vector<4000x128xi1>
    %and3A = arith.andi %ne3A_13, %ne3A_6 : vector<4000x128xi1>
    %add3A = vector.broadcast %select_n3A : i32 to vector<4000x128xi32>
    %add3A_14 = arith.addi %rem3A_4, %add3A : vector<4000x128xi32>
    %select_n3A_15 = arith.select %and3A, %add3A_14, %rem3A_4 : vector<4000x128xi1>, vector<4000x128xi32>
    %eq3A_16 = arith.constant 0 : i32
    %eq3A_17 = vector.broadcast %eq3A_16 : i32 to vector<4000x128xi32>
    %eq3A_18 = arith.cmpi eq, %select_n3A_15, %eq3A_17 : vector<4000x128xi32>
    %mul3A = arith.constant 1.000000e-01 : f32
    %mul3A_19 = vector.broadcast %mul3A : f32 to vector<4000x128xf32>
    %mul3A_20 = arith.mulf %get3A_1, %mul3A_19 : vector<4000x128xf32>
    %mul3A_21 = arith.mulf %mul3A_20, %mul3A_20 : vector<4000x128xf32>
    %broadcast_in_dim3A = arith.constant -0.010331166 : f32
    %broadcast_in_dim3A_22 = vector.broadcast %broadcast_in_dim3A : f32 to vector<4000x128xf32>
    %mul3A_23 = arith.mulf %broadcast_in_dim3A_22, %mul3A_21 : vector<4000x128xf32>
    %add3A_24 = arith.constant 0.114937402 : f32
    %add3A_25 = vector.broadcast %add3A_24 : f32 to vector<4000x128xf32>
    %add3A_26 = arith.addf %mul3A_23, %add3A_25 : vector<4000x128xf32>
    %mul3A_27 = arith.mulf %add3A_26, %mul3A_21 : vector<4000x128xf32>
    %add3A_28 = arith.constant -0.666290402 : f32
    %add3A_29 = vector.broadcast %add3A_28 : f32 to vector<4000x128xf32>
    %add3A_30 = arith.addf %mul3A_27, %add3A_29 : vector<4000x128xf32>
    %mul3A_31 = arith.mulf %add3A_30, %mul3A_21 : vector<4000x128xf32>
    %add3A_32 = arith.constant 2.02906299 : f32
    %add3A_33 = vector.broadcast %add3A_32 : f32 to vector<4000x128xf32>
    %add3A_34 = arith.addf %mul3A_31, %add3A_33 : vector<4000x128xf32>
    %mul3A_35 = arith.mulf %add3A_34, %mul3A_21 : vector<4000x128xf32>
    %add3A_36 = arith.constant -2.46737909 : f32
    %add3A_37 = vector.broadcast %add3A_36 : f32 to vector<4000x128xf32>
    %add3A_38 = arith.addf %mul3A_35, %add3A_37 : vector<4000x128xf32>
    %mul3A_39 = arith.mulf %add3A_38, %mul3A_21 : vector<4000x128xf32>
    %add3A_40 = arith.constant 0.999999821 : f32
    %add3A_41 = vector.broadcast %add3A_40 : f32 to vector<4000x128xf32>
    %add3A_42 = arith.addf %mul3A_39, %add3A_41 : vector<4000x128xf32>
    %le3A = arith.constant 1.000000e+01 : f32
    %le3A_43 = vector.broadcast %le3A : f32 to vector<4000x128xf32>
    %le3A_44 = arith.cmpf ole, %get3A_1, %le3A_43 : vector<4000x128xf32>
    %ge3A = arith.constant 0.000000e+00 : f32
    %ge3A_45 = vector.broadcast %ge3A : f32 to vector<4000x128xf32>
    %ge3A_46 = arith.cmpf oge, %get3A_1, %ge3A_45 : vector<4000x128xf32>
    %and3A_47 = arith.andi %le3A_44, %ge3A_46 : vector<4000x128xi1>
    %and3A_48 = arith.andi %and3A_47, %eq3A_18 : vector<4000x128xi1>
    %jit3A_49 = arith.constant 0.000000e+00 : f32
    %broadcast_in_dim3A_50 = vector.broadcast %jit3A_49 : f32 to vector<4000x128xf32>
    %select_n3A_51 = arith.select %and3A_48, %add3A_42, %broadcast_in_dim3A_50 : vector<4000x128xi1>, vector<4000x128xf32>
    %get3A_52 = arith.constant 0 : index
    %get3A_53 = arith.constant 0 : index
    %get3A_54 = vector.load %arg2[%get3A_52, %get3A_53] : memref<128x128xf32, #tpu.memory_space<vmem>>, vector<128x128xf32>
    %dot_general3A = arith.constant dense<0.000000e+00> : vector<4000x128xf32>
    %dot_general3A_55 = tpu.matmul %select_n3A_51, %get3A_54, %dot_general3A {dimension_numbers = #tpu.dot_dimension_numbers<[1], [0], [0], [1], [0, 0, 1, 1], [], []>, transpose_lhs_hint = false} : vector<4000x128xf32>, vector<128x128xf32>, vector<4000x128xf32> -> vector<4000x128xf32>
    %jit3A_56 = arith.constant 1.000000e+00 : f32
    %broadcast_in_dim3A_57 = vector.broadcast %jit3A_56 : f32 to vector<4000x128xf32>
    %select_n3A_58 = arith.select %eq3A_18, %broadcast_in_dim3A_57, %get3A_1 : vector<4000x128xi1>, vector<4000x128xf32>
    %mul3A_59 = arith.mulf %dot_general3A_55, %select_n3A_58 : vector<4000x128xf32>
    %swap3A = arith.constant 0 : index
    %swap3A_60 = arith.constant 0 : index
    %swap3A_61 = vector.load %arg3[%swap3A, %swap3A_60] : memref<4000x128xf32, #tpu.memory_space<vmem>>, vector<4000x128xf32>
    tpu.vector_store %arg3[%swap3A, %swap3A_60], %mul3A_59 {strides = array<i32>} : memref<4000x128xf32, #tpu.memory_space<vmem>>, vector<4000x128xf32>,
    return
  }
  func.func @transform_0(%arg0: i32) -> (i32, i32) {
    %c0_i32 = arith.constant 0 : i32
    %c0_i32_0 = arith.constant 0 : i32
    return %arg0, %c0_i32 : i32, i32
  }
  func.func @transform_1(%arg0: i32) -> (i32, i32) {
    %c0_i32 = arith.constant 0 : i32
    %c0_i32_0 = arith.constant 0 : i32
    %c0_i32_1 = arith.constant 0 : i32
    return %c0_i32, %c0_i32_0 : i32, i32
  }
  func.func @transform_2(%arg0: i32) -> (i32, i32) {
    %c0_i32 = arith.constant 0 : i32
    %c0_i32_0 = arith.constant 0 : i32
    return %arg0, %c0_i32 : i32, i32
  }
}

module attributes {stable_mosaic.version = 14 : i64} {
  func.func @_node_body(%arg0: i32, %arg1: memref<2000x4xf32, #tpu.memory_space<vmem>>, %arg2: memref<2000x9xf32, #tpu.memory_space<vmem>>, %arg3: memref<2000x16xf32, #tpu.memory_space<vmem>>, %arg4: memref<2000x16xf32, #tpu.memory_space<vmem>>, %arg5: memref<4x16xf32, #tpu.memory_space<vmem>>, %arg6: memref<1x16xf32, #tpu.memory_space<vmem>>, %arg7: memref<4x16xf32, #tpu.memory_space<vmem>>, %arg8: memref<1x16xf32, #tpu.memory_space<vmem>>, %arg9: memref<9x48xf32, #tpu.memory_space<vmem>>, %arg10: memref<1x48xf32, #tpu.memory_space<vmem>>, %arg11: memref<6x16xf32, #tpu.memory_space<vmem>>, %arg12: memref<1x16xf32, #tpu.memory_space<vmem>>, %arg13: memref<6x16xf32, #tpu.memory_space<vmem>>, %arg14: memref<1x16xf32, #tpu.memory_space<vmem>>, %arg15: memref<9x48xf32, #tpu.memory_space<vmem>>, %arg16: memref<1x48xf32, #tpu.memory_space<vmem>>, %arg17: memref<48x48xf32, #tpu.memory_space<vmem>>, %arg18: memref<48x48xf32, #tpu.memory_space<vmem>>, %arg19: memref<16x16xf32, #tpu.memory_space<vmem>>, %arg20: memref<16x16xf32, #tpu.memory_space<vmem>>, %arg21: memref<16x16xf32, #tpu.memory_space<vmem>>, %arg22: memref<1x16xf32, #tpu.memory_space<vmem>>, %arg23: memref<48x48xf32, #tpu.memory_space<vmem>>, %arg24: memref<16x48xf32, #tpu.memory_space<vmem>>, %arg25: memref<48x16xf32, #tpu.memory_space<vmem>>, %arg26: memref<2000x16xf32, #tpu.memory_space<vmem>>, %arg27: memref<2000x48xf32, #tpu.memory_space<vmem>>) attributes {dimension_semantics = [#tpu.dimension_semantics<arbitrary>], iteration_bounds = array<i64: 25>, scalar_prefetch = 0 : i64, scratch_operands = 0 : i64, tpu.core_type = #tpu.core_type<tc>, window_params = [{transform_indices = @transform_0, window_bounds = array<i64: 2000, 4>}, {transform_indices = @transform_1, window_bounds = array<i64: 2000, 9>}, {transform_indices = @transform_2, window_bounds = array<i64: 2000, 16>}, {transform_indices = @transform_3, window_bounds = array<i64: 2000, 16>}, {pipeline_mode = #tpu.pipeline_mode<synchronous>, transform_indices = @transform_4, window_bounds = array<i64: 4, 16>}, {pipeline_mode = #tpu.pipeline_mode<synchronous>, transform_indices = @transform_5, window_bounds = array<i64: 1, 16>}, {pipeline_mode = #tpu.pipeline_mode<synchronous>, transform_indices = @transform_6, window_bounds = array<i64: 4, 16>}, {pipeline_mode = #tpu.pipeline_mode<synchronous>, transform_indices = @transform_7, window_bounds = array<i64: 1, 16>}, {pipeline_mode = #tpu.pipeline_mode<synchronous>, transform_indices = @transform_8, window_bounds = array<i64: 9, 48>}, {pipeline_mode = #tpu.pipeline_mode<synchronous>, transform_indices = @transform_9, window_bounds = array<i64: 1, 48>}, {pipeline_mode = #tpu.pipeline_mode<synchronous>, transform_indices = @transform_10, window_bounds = array<i64: 6, 16>}, {pipeline_mode = #tpu.pipeline_mode<synchronous>, transform_indices = @transform_11, window_bounds = array<i64: 1, 16>}, {pipeline_mode = #tpu.pipeline_mode<synchronous>, transform_indices = @transform_12, window_bounds = array<i64: 6, 16>}, {pipeline_mode = #tpu.pipeline_mode<synchronous>, transform_indices = @transform_13, window_bounds = array<i64: 1, 16>}, {pipeline_mode = #tpu.pipeline_mode<synchronous>, transform_indices = @transform_14, window_bounds = array<i64: 9, 48>}, {pipeline_mode = #tpu.pipeline_mode<synchronous>, transform_indices = @transform_15, window_bounds = array<i64: 1, 48>}, {pipeline_mode = #tpu.pipeline_mode<synchronous>, transform_indices = @transform_16, window_bounds = array<i64: 48, 48>}, {pipeline_mode = #tpu.pipeline_mode<synchronous>, transform_indices = @transform_17, window_bounds = array<i64: 48, 48>}, {pipeline_mode = #tpu.pipeline_mode<synchronous>, transform_indices = @transform_18, window_bounds = array<i64: 16, 16>}, {pipeline_mode = #tpu.pipeline_mode<synchronous>, transform_indices = @transform_19, window_bounds = array<i64: 16, 16>}, {pipeline_mode = #tpu.pipeline_mode<synchronous>, transform_indices = @transform_20, window_bounds = array<i64: 16, 16>}, {pipeline_mode = #tpu.pipeline_mode<synchronous>, transform_indices = @transform_21, window_bounds = array<i64: 1, 16>}, {pipeline_mode = #tpu.pipeline_mode<synchronous>, transform_indices = @transform_22, window_bounds = array<i64: 48, 48>}, {pipeline_mode = #tpu.pipeline_mode<synchronous>, transform_indices = @transform_23, window_bounds = array<i64: 16, 48>}, {pipeline_mode = #tpu.pipeline_mode<synchronous>, transform_indices = @transform_24, window_bounds = array<i64: 48, 16>}, {transform_indices = @transform_25, window_bounds = array<i64: 2000, 16>}, {transform_indices = @transform_26, window_bounds = array<i64: 2000, 48>}]} {
    %get3A = arith.constant 0 : index
    %get3A_0 = arith.constant 0 : index
    %get3A_1 = vector.load %arg1[%get3A, %get3A_0] : memref<2000x4xf32, #tpu.memory_space<vmem>>, vector<2000x4xf32>
    %get3A_2 = arith.constant 0 : index
    %get3A_3 = arith.constant 0 : index
    %get3A_4 = vector.load %arg2[%get3A_2, %get3A_3] : memref<2000x9xf32, #tpu.memory_space<vmem>>, vector<2000x9xf32>
    %get3A_5 = arith.constant 0 : index
    %get3A_6 = arith.constant 0 : index
    %get3A_7 = vector.load %arg3[%get3A_5, %get3A_6] : memref<2000x16xf32, #tpu.memory_space<vmem>>, vector<2000x16xf32>
    %get3A_8 = arith.constant 0 : index
    %get3A_9 = arith.constant 0 : index
    %get3A_10 = vector.load %arg4[%get3A_8, %get3A_9] : memref<2000x16xf32, #tpu.memory_space<vmem>>, vector<2000x16xf32>
    %add3A = arith.addf %get3A_7, %get3A_10 : vector<2000x16xf32>
    %slice3A = vector.extract_strided_slice %add3A {offsets = [0, 0], sizes = [2000, 1], strides = [1, 1]} : vector<2000x16xf32> to vector<2000x1xf32>
    %slice3A_11 = vector.extract_strided_slice %add3A {offsets = [0, 1], sizes = [2000, 6], strides = [1, 1]} : vector<2000x16xf32> to vector<2000x6xf32>
    %slice3A_12 = vector.extract_strided_slice %add3A {offsets = [0, 7], sizes = [2000, 9], strides = [1, 1]} : vector<2000x16xf32> to vector<2000x9xf32>
    %get3A_13 = arith.constant 0 : index
    %get3A_14 = arith.constant 0 : index
    %get3A_15 = vector.load %arg24[%get3A_13, %get3A_14] : memref<16x48xf32, #tpu.memory_space<vmem>>, vector<16x48xf32>
    %get3A_16 = arith.constant 0 : index
    %get3A_17 = arith.constant 0 : index
    %get3A_18 = vector.load %arg25[%get3A_16, %get3A_17] : memref<48x16xf32, #tpu.memory_space<vmem>>, vector<48x16xf32>
    %get3A_19 = arith.constant 0 : index
    %get3A_20 = arith.constant 0 : index
    %get3A_21 = vector.load %arg5[%get3A_19, %get3A_20] : memref<4x16xf32, #tpu.memory_space<vmem>>, vector<4x16xf32>
    %dot_general3A = arith.constant dense<0.000000e+00> : vector<2000x16xf32>
    %dot_general3A_22 = tpu.matmul %get3A_1, %get3A_21, %dot_general3A {dimension_numbers = #tpu.dot_dimension_numbers<[1], [0], [0], [1], [0, 0, 1, 1], [], []>, transpose_lhs_hint = false} : vector<2000x4xf32>, vector<4x16xf32>, vector<2000x16xf32> -> vector<2000x16xf32>
    %get3A_23 = arith.constant 0 : index
    %get3A_24 = arith.constant 0 : index
    %get3A_25 = vector.load %arg6[%get3A_23, %get3A_24] : memref<1x16xf32, #tpu.memory_space<vmem>>, vector<1x16xf32>
    %add3A_26 = vector.broadcast %get3A_25 : vector<1x16xf32> to vector<2000x16xf32>
    %add3A_27 = arith.addf %dot_general3A_22, %add3A_26 : vector<2000x16xf32>
    %get3A_28 = arith.constant 0 : index
    %get3A_29 = arith.constant 0 : index
    %get3A_30 = vector.load %arg7[%get3A_28, %get3A_29] : memref<4x16xf32, #tpu.memory_space<vmem>>, vector<4x16xf32>
    %dot_general3A_31 = arith.constant dense<0.000000e+00> : vector<2000x16xf32>
    %dot_general3A_32 = tpu.matmul %get3A_1, %get3A_30, %dot_general3A_31 {dimension_numbers = #tpu.dot_dimension_numbers<[1], [0], [0], [1], [0, 0, 1, 1], [], []>, transpose_lhs_hint = false} : vector<2000x4xf32>, vector<4x16xf32>, vector<2000x16xf32> -> vector<2000x16xf32>
    %get3A_33 = arith.constant 0 : index
    %get3A_34 = arith.constant 0 : index
    %get3A_35 = vector.load %arg8[%get3A_33, %get3A_34] : memref<1x16xf32, #tpu.memory_space<vmem>>, vector<1x16xf32>
    %add3A_36 = vector.broadcast %get3A_35 : vector<1x16xf32> to vector<2000x16xf32>
    %add3A_37 = arith.addf %dot_general3A_32, %add3A_36 : vector<2000x16xf32>
    %get3A_38 = arith.constant 0 : index
    %get3A_39 = arith.constant 0 : index
    %get3A_40 = vector.load %arg9[%get3A_38, %get3A_39] : memref<9x48xf32, #tpu.memory_space<vmem>>, vector<9x48xf32>
    %dot_general3A_41 = arith.constant dense<0.000000e+00> : vector<2000x48xf32>
    %dot_general3A_42 = tpu.matmul %get3A_4, %get3A_40, %dot_general3A_41 {dimension_numbers = #tpu.dot_dimension_numbers<[1], [0], [0], [1], [0, 0, 1, 1], [], []>, transpose_lhs_hint = false} : vector<2000x9xf32>, vector<9x48xf32>, vector<2000x48xf32> -> vector<2000x48xf32>
    %get3A_43 = arith.constant 0 : index
    %get3A_44 = arith.constant 0 : index
    %get3A_45 = vector.load %arg10[%get3A_43, %get3A_44] : memref<1x48xf32, #tpu.memory_space<vmem>>, vector<1x48xf32>
    %add3A_46 = vector.broadcast %get3A_45 : vector<1x48xf32> to vector<2000x48xf32>
    %add3A_47 = arith.addf %dot_general3A_42, %add3A_46 : vector<2000x48xf32>
    %get3A_48 = arith.constant 0 : index
    %get3A_49 = arith.constant 0 : index
    %get3A_50 = vector.load %arg11[%get3A_48, %get3A_49] : memref<6x16xf32, #tpu.memory_space<vmem>>, vector<6x16xf32>
    %dot_general3A_51 = arith.constant dense<0.000000e+00> : vector<2000x16xf32>
    %dot_general3A_52 = tpu.matmul %slice3A_11, %get3A_50, %dot_general3A_51 {dimension_numbers = #tpu.dot_dimension_numbers<[1], [0], [0], [1], [0, 0, 1, 1], [], []>, transpose_lhs_hint = false} : vector<2000x6xf32>, vector<6x16xf32>, vector<2000x16xf32> -> vector<2000x16xf32>
    %get3A_53 = arith.constant 0 : index
    %get3A_54 = arith.constant 0 : index
    %get3A_55 = vector.load %arg12[%get3A_53, %get3A_54] : memref<1x16xf32, #tpu.memory_space<vmem>>, vector<1x16xf32>
    %mul3A = vector.broadcast %slice3A : vector<2000x1xf32> to vector<2000x16xf32>
    %mul3A_56 = vector.broadcast %get3A_55 : vector<1x16xf32> to vector<2000x16xf32>
    %mul3A_57 = arith.mulf %mul3A, %mul3A_56 : vector<2000x16xf32>
    %add3A_58 = arith.addf %dot_general3A_52, %mul3A_57 : vector<2000x16xf32>
    %get3A_59 = arith.constant 0 : index
    %get3A_60 = arith.constant 0 : index
    %get3A_61 = vector.load %arg13[%get3A_59, %get3A_60] : memref<6x16xf32, #tpu.memory_space<vmem>>, vector<6x16xf32>
    %dot_general3A_62 = arith.constant dense<0.000000e+00> : vector<2000x16xf32>
    %dot_general3A_63 = tpu.matmul %slice3A_11, %get3A_61, %dot_general3A_62 {dimension_numbers = #tpu.dot_dimension_numbers<[1], [0], [0], [1], [0, 0, 1, 1], [], []>, transpose_lhs_hint = false} : vector<2000x6xf32>, vector<6x16xf32>, vector<2000x16xf32> -> vector<2000x16xf32>
    %get3A_64 = arith.constant 0 : index
    %get3A_65 = arith.constant 0 : index
    %get3A_66 = vector.load %arg14[%get3A_64, %get3A_65] : memref<1x16xf32, #tpu.memory_space<vmem>>, vector<1x16xf32>
    %mul3A_67 = vector.broadcast %slice3A : vector<2000x1xf32> to vector<2000x16xf32>
    %mul3A_68 = vector.broadcast %get3A_66 : vector<1x16xf32> to vector<2000x16xf32>
    %mul3A_69 = arith.mulf %mul3A_67, %mul3A_68 : vector<2000x16xf32>
    %add3A_70 = arith.addf %dot_general3A_63, %mul3A_69 : vector<2000x16xf32>
    %get3A_71 = arith.constant 0 : index
    %get3A_72 = arith.constant 0 : index
    %get3A_73 = vector.load %arg15[%get3A_71, %get3A_72] : memref<9x48xf32, #tpu.memory_space<vmem>>, vector<9x48xf32>
    %dot_general3A_74 = arith.constant dense<0.000000e+00> : vector<2000x48xf32>
    %dot_general3A_75 = tpu.matmul %slice3A_12, %get3A_73, %dot_general3A_74 {dimension_numbers = #tpu.dot_dimension_numbers<[1], [0], [0], [1], [0, 0, 1, 1], [], []>, transpose_lhs_hint = false} : vector<2000x9xf32>, vector<9x48xf32>, vector<2000x48xf32> -> vector<2000x48xf32>
    %get3A_76 = arith.constant 0 : index
    %get3A_77 = arith.constant 0 : index
    %get3A_78 = vector.load %arg16[%get3A_76, %get3A_77] : memref<1x48xf32, #tpu.memory_space<vmem>>, vector<1x48xf32>
    %mul3A_79 = vector.broadcast %slice3A : vector<2000x1xf32> to vector<2000x48xf32>
    %mul3A_80 = vector.broadcast %get3A_78 : vector<1x48xf32> to vector<2000x48xf32>
    %mul3A_81 = arith.mulf %mul3A_79, %mul3A_80 : vector<2000x48xf32>
    %add3A_82 = arith.addf %dot_general3A_75, %mul3A_81 : vector<2000x48xf32>
    %mul3A_83 = arith.mulf %add3A_27, %add3A_58 : vector<2000x16xf32>
    %dot_general3A_84 = arith.constant dense<0.000000e+00> : vector<2000x48xf32>
    %dot_general3A_85 = tpu.matmul %add3A_70, %get3A_15, %dot_general3A_84 {dimension_numbers = #tpu.dot_dimension_numbers<[1], [0], [0], [1], [0, 0, 1, 1], [], []>, transpose_lhs_hint = false} : vector<2000x16xf32>, vector<16x48xf32>, vector<2000x48xf32> -> vector<2000x48xf32>
    %mul3A_86 = arith.mulf %add3A_47, %dot_general3A_85 : vector<2000x48xf32>
    %dot_general3A_87 = arith.constant dense<0.000000e+00> : vector<2000x48xf32>
    %dot_general3A_88 = tpu.matmul %add3A_37, %get3A_15, %dot_general3A_87 {dimension_numbers = #tpu.dot_dimension_numbers<[1], [0], [0], [1], [0, 0, 1, 1], [], []>, transpose_lhs_hint = false} : vector<2000x16xf32>, vector<16x48xf32>, vector<2000x48xf32> -> vector<2000x48xf32>
    %mul3A_89 = arith.mulf %dot_general3A_88, %add3A_82 : vector<2000x48xf32>
    %add3A_90 = arith.addf %mul3A_86, %mul3A_89 : vector<2000x48xf32>
    %get3A_91 = arith.constant 0 : index
    %get3A_92 = arith.constant 0 : index
    %get3A_93 = vector.load %arg17[%get3A_91, %get3A_92] : memref<48x48xf32, #tpu.memory_space<vmem>>, vector<48x48xf32>
    %dot_general3A_94 = arith.constant dense<0.000000e+00> : vector<2000x48xf32>
    %dot_general3A_95 = tpu.matmul %add3A_90, %get3A_93, %dot_general3A_94 {dimension_numbers = #tpu.dot_dimension_numbers<[1], [0], [0], [1], [0, 0, 1, 1], [], []>, transpose_lhs_hint = false} : vector<2000x48xf32>, vector<48x48xf32>, vector<2000x48xf32> -> vector<2000x48xf32>
    %mul3A_96 = arith.mulf %dot_general3A_95, %dot_general3A_95 : vector<2000x48xf32>
    %dot_general3A_97 = arith.constant dense<0.000000e+00> : vector<2000x16xf32>
    %dot_general3A_98 = tpu.matmul %mul3A_96, %get3A_18, %dot_general3A_97 {dimension_numbers = #tpu.dot_dimension_numbers<[1], [0], [0], [1], [0, 0, 1, 1], [], []>, transpose_lhs_hint = false} : vector<2000x48xf32>, vector<48x16xf32>, vector<2000x16xf32> -> vector<2000x16xf32>
    %add3A_99 = arith.constant 9.99999996E-13 : f32
    %add3A_100 = vector.broadcast %add3A_99 : f32 to vector<2000x16xf32>
    %add3A_101 = arith.addf %dot_general3A_98, %add3A_100 : vector<2000x16xf32>
    %sqrt3A = math.sqrt %add3A_101 : vector<2000x16xf32>
    %get3A_102 = arith.constant 0 : index
    %get3A_103 = arith.constant 0 : index
    %get3A_104 = vector.load %arg19[%get3A_102, %get3A_103] : memref<16x16xf32, #tpu.memory_space<vmem>>, vector<16x16xf32>
    %dot_general3A_105 = arith.constant dense<0.000000e+00> : vector<2000x16xf32>
    %dot_general3A_106 = tpu.matmul %sqrt3A, %get3A_104, %dot_general3A_105 {dimension_numbers = #tpu.dot_dimension_numbers<[1], [0], [0], [1], [0, 0, 1, 1], [], []>, transpose_lhs_hint = false} : vector<2000x16xf32>, vector<16x16xf32>, vector<2000x16xf32> -> vector<2000x16xf32>
    %get3A_107 = arith.constant 0 : index
    %get3A_108 = arith.constant 0 : index
    %get3A_109 = vector.load %arg20[%get3A_107, %get3A_108] : memref<16x16xf32, #tpu.memory_space<vmem>>, vector<16x16xf32>
    %dot_general3A_110 = arith.constant dense<0.000000e+00> : vector<2000x16xf32>
    %dot_general3A_111 = tpu.matmul %mul3A_83, %get3A_109, %dot_general3A_110 {dimension_numbers = #tpu.dot_dimension_numbers<[1], [0], [0], [1], [0, 0, 1, 1], [], []>, transpose_lhs_hint = false} : vector<2000x16xf32>, vector<16x16xf32>, vector<2000x16xf32> -> vector<2000x16xf32>
    %add3A_112 = arith.addf %dot_general3A_106, %dot_general3A_111 : vector<2000x16xf32>
    %get3A_113 = arith.constant 0 : index
    %get3A_114 = arith.constant 0 : index
    %get3A_115 = vector.load %arg18[%get3A_113, %get3A_114] : memref<48x48xf32, #tpu.memory_space<vmem>>, vector<48x48xf32>
    %dot_general3A_116 = arith.constant dense<0.000000e+00> : vector<2000x48xf32>
    %dot_general3A_117 = tpu.matmul %dot_general3A_95, %get3A_115, %dot_general3A_116 {dimension_numbers = #tpu.dot_dimension_numbers<[1], [0], [0], [1], [0, 0, 1, 1], [], []>, transpose_lhs_hint = false} : vector<2000x48xf32>, vector<48x48xf32>, vector<2000x48xf32> -> vector<2000x48xf32>
    %get3A_118 = arith.constant 0 : index
    %get3A_119 = arith.constant 0 : index
    %get3A_120 = vector.load %arg21[%get3A_118, %get3A_119] : memref<16x16xf32, #tpu.memory_space<vmem>>, vector<16x16xf32>
    %dot_general3A_121 = arith.constant dense<0.000000e+00> : vector<2000x16xf32>
    %dot_general3A_122 = tpu.matmul %add3A_112, %get3A_120, %dot_general3A_121 {dimension_numbers = #tpu.dot_dimension_numbers<[1], [0], [0], [1], [0, 0, 1, 1], [], []>, transpose_lhs_hint = false} : vector<2000x16xf32>, vector<16x16xf32>, vector<2000x16xf32> -> vector<2000x16xf32>
    %get3A_123 = arith.constant 0 : index
    %get3A_124 = arith.constant 0 : index
    %get3A_125 = vector.load %arg22[%get3A_123, %get3A_124] : memref<1x16xf32, #tpu.memory_space<vmem>>, vector<1x16xf32>
    %add3A_126 = vector.broadcast %get3A_125 : vector<1x16xf32> to vector<2000x16xf32>
    %add3A_127 = arith.addf %dot_general3A_122, %add3A_126 : vector<2000x16xf32>
    %logistic3A = arith.negf %add3A_127 : vector<2000x16xf32>
    %logistic3A_128 = math.exp %logistic3A : vector<2000x16xf32>
    %logistic3A_129 = arith.constant 1.000000e+00 : f32
    %logistic3A_130 = vector.broadcast %logistic3A_129 : f32 to vector<2000x16xf32>
    %logistic3A_131 = arith.addf %logistic3A_130, %logistic3A_128 : vector<2000x16xf32>
    %logistic3A_132 = arith.divf %logistic3A_130, %logistic3A_131 : vector<2000x16xf32>
    %dot_general3A_133 = arith.constant dense<0.000000e+00> : vector<2000x48xf32>
    %dot_general3A_134 = tpu.matmul %logistic3A_132, %get3A_15, %dot_general3A_133 {dimension_numbers = #tpu.dot_dimension_numbers<[1], [0], [0], [1], [0, 0, 1, 1], [], []>, transpose_lhs_hint = false} : vector<2000x16xf32>, vector<16x48xf32>, vector<2000x48xf32> -> vector<2000x48xf32>
    %mul3A_135 = arith.mulf %dot_general3A_134, %dot_general3A_117 : vector<2000x48xf32>
    %get3A_136 = arith.constant 0 : index
    %get3A_137 = arith.constant 0 : index
    %get3A_138 = vector.load %arg23[%get3A_136, %get3A_137] : memref<48x48xf32, #tpu.memory_space<vmem>>, vector<48x48xf32>
    %dot_general3A_139 = arith.constant dense<0.000000e+00> : vector<2000x48xf32>
    %dot_general3A_140 = tpu.matmul %mul3A_135, %get3A_138, %dot_general3A_139 {dimension_numbers = #tpu.dot_dimension_numbers<[1], [0], [0], [1], [0, 0, 1, 1], [], []>, transpose_lhs_hint = false} : vector<2000x48xf32>, vector<48x48xf32>, vector<2000x48xf32> -> vector<2000x48xf32>
    %mul3A_141 = arith.mulf %mul3A_135, %dot_general3A_140 : vector<2000x48xf32>
    %dot_general3A_142 = arith.constant dense<0.000000e+00> : vector<2000x16xf32>
    %dot_general3A_143 = tpu.matmul %mul3A_141, %get3A_18, %dot_general3A_142 {dimension_numbers = #tpu.dot_dimension_numbers<[1], [0], [0], [1], [0, 0, 1, 1], [], []>, transpose_lhs_hint = false} : vector<2000x48xf32>, vector<48x16xf32>, vector<2000x16xf32> -> vector<2000x16xf32>
    %mul3A_144 = arith.mulf %dot_general3A_140, %dot_general3A_140 : vector<2000x48xf32>
    %dot_general3A_145 = arith.constant dense<0.000000e+00> : vector<2000x16xf32>
    %dot_general3A_146 = tpu.matmul %mul3A_144, %get3A_18, %dot_general3A_145 {dimension_numbers = #tpu.dot_dimension_numbers<[1], [0], [0], [1], [0, 0, 1, 1], [], []>, transpose_lhs_hint = false} : vector<2000x48xf32>, vector<48x16xf32>, vector<2000x16xf32> -> vector<2000x16xf32>
    %ge3A = arith.constant 0.000000e+00 : f32
    %ge3A_147 = vector.broadcast %ge3A : f32 to vector<2000x16xf32>
    %ge3A_148 = arith.cmpf oge, %dot_general3A_143, %ge3A_147 : vector<2000x16xf32>
    %convert_element_type3A = arith.extui %ge3A_148 : vector<2000x16xi1> to vector<2000x16xi32>
    %convert_element_type3A_149 = arith.sitofp %convert_element_type3A : vector<2000x16xi32> to vector<2000x16xf32>
    %add3A_150 = arith.constant 9.99999997E-7 : f32
    %add3A_151 = vector.broadcast %add3A_150 : f32 to vector<2000x16xf32>
    %add3A_152 = arith.addf %dot_general3A_146, %add3A_151 : vector<2000x16xf32>
    %div3A = arith.divf %dot_general3A_143, %add3A_152 : vector<2000x16xf32>
    %dot_general3A_153 = arith.constant dense<0.000000e+00> : vector<2000x48xf32>
    %dot_general3A_154 = tpu.matmul %div3A, %get3A_15, %dot_general3A_153 {dimension_numbers = #tpu.dot_dimension_numbers<[1], [0], [0], [1], [0, 0, 1, 1], [], []>, transpose_lhs_hint = false} : vector<2000x16xf32>, vector<16x48xf32>, vector<2000x48xf32> -> vector<2000x48xf32>
    %mul3A_155 = arith.mulf %dot_general3A_154, %dot_general3A_140 : vector<2000x48xf32>
    %sub3A = arith.subf %mul3A_135, %mul3A_155 : vector<2000x48xf32>
    %mul3A_156 = arith.constant 2.000000e-01 : f32
    %mul3A_157 = vector.broadcast %mul3A_156 : f32 to vector<2000x48xf32>
    %mul3A_158 = arith.mulf %mul3A_157, %mul3A_135 : vector<2000x48xf32>
    %dot_general3A_159 = arith.constant dense<0.000000e+00> : vector<2000x48xf32>
    %dot_general3A_160 = tpu.matmul %convert_element_type3A_149, %get3A_15, %dot_general3A_159 {dimension_numbers = #tpu.dot_dimension_numbers<[1], [0], [0], [1], [0, 0, 1, 1], [], []>, transpose_lhs_hint = false} : vector<2000x16xf32>, vector<16x48xf32>, vector<2000x48xf32> -> vector<2000x48xf32>
    %mul3A_161 = arith.mulf %dot_general3A_160, %mul3A_135 : vector<2000x48xf32>
    %sub3A_162 = arith.constant 1.000000e+00 : f32
    %sub3A_163 = vector.broadcast %sub3A_162 : f32 to vector<2000x16xf32>
    %sub3A_164 = arith.subf %sub3A_163, %convert_element_type3A_149 : vector<2000x16xf32>
    %dot_general3A_165 = arith.constant dense<0.000000e+00> : vector<2000x48xf32>
    %dot_general3A_166 = tpu.matmul %sub3A_164, %get3A_15, %dot_general3A_165 {dimension_numbers = #tpu.dot_dimension_numbers<[1], [0], [0], [1], [0, 0, 1, 1], [], []>, transpose_lhs_hint = false} : vector<2000x16xf32>, vector<16x48xf32>, vector<2000x48xf32> -> vector<2000x48xf32>
    %mul3A_167 = arith.mulf %dot_general3A_166, %sub3A : vector<2000x48xf32>
    %add3A_168 = arith.addf %mul3A_161, %mul3A_167 : vector<2000x48xf32>
    %mul3A_169 = arith.constant 8.000000e-01 : f32
    %mul3A_170 = vector.broadcast %mul3A_169 : f32 to vector<2000x48xf32>
    %mul3A_171 = arith.mulf %mul3A_170, %add3A_168 : vector<2000x48xf32>
    %add3A_172 = arith.addf %mul3A_158, %mul3A_171 : vector<2000x48xf32>
    %swap3A = arith.constant 0 : index
    %swap3A_173 = arith.constant 0 : index
    %swap3A_174 = vector.load %arg27[%swap3A, %swap3A_173] : memref<2000x48xf32, #tpu.memory_space<vmem>>, vector<2000x48xf32>
    tpu.vector_store %arg27[%swap3A, %swap3A_173], %add3A_172 {strides = array<i32>} : memref<2000x48xf32, #tpu.memory_space<vmem>>, vector<2000x48xf32>,
    %ge3A_175 = arith.constant 0.000000e+00 : f32
    %ge3A_176 = vector.broadcast %ge3A_175 : f32 to vector<2000x16xf32>
    %ge3A_177 = arith.cmpf oge, %add3A_112, %ge3A_176 : vector<2000x16xf32>
    %mul3A_178 = arith.constant 0.00999999977 : f32
    %mul3A_179 = vector.broadcast %mul3A_178 : f32 to vector<2000x16xf32>
    %mul3A_180 = arith.mulf %mul3A_179, %add3A_112 : vector<2000x16xf32>
    %select_n3A = arith.select %ge3A_177, %add3A_112, %mul3A_180 : vector<2000x16xi1>, vector<2000x16xf32>
    %swap3A_181 = arith.constant 0 : index
    %swap3A_182 = arith.constant 0 : index
    %swap3A_183 = vector.load %arg26[%swap3A_181, %swap3A_182] : memref<2000x16xf32, #tpu.memory_space<vmem>>, vector<2000x16xf32>
    tpu.vector_store %arg26[%swap3A_181, %swap3A_182], %select_n3A {strides = array<i32>} : memref<2000x16xf32, #tpu.memory_space<vmem>>, vector<2000x16xf32>,
    return
  }
  func.func @transform_0(%arg0: i32) -> (i32, i32) {
    %c0_i32 = arith.constant 0 : i32
    %c0_i32_0 = arith.constant 0 : i32
    return %arg0, %c0_i32 : i32, i32
  }
  func.func @transform_1(%arg0: i32) -> (i32, i32) {
    %c0_i32 = arith.constant 0 : i32
    %c0_i32_0 = arith.constant 0 : i32
    return %arg0, %c0_i32 : i32, i32
  }
  func.func @transform_2(%arg0: i32) -> (i32, i32) {
    %c0_i32 = arith.constant 0 : i32
    %c0_i32_0 = arith.constant 0 : i32
    return %arg0, %c0_i32 : i32, i32
  }
  func.func @transform_3(%arg0: i32) -> (i32, i32) {
    %add3A = arith.constant 25 : i32
    %add3A_0 = arith.addi %arg0, %add3A : i32
    %c0_i32 = arith.constant 0 : i32
    %c0_i32_1 = arith.constant 0 : i32
    return %add3A_0, %c0_i32 : i32, i32
  }
  func.func @transform_4(%arg0: i32) -> (i32, i32) {
    %c0_i32 = arith.constant 0 : i32
    %c0_i32_0 = arith.constant 0 : i32
    %c0_i32_1 = arith.constant 0 : i32
    return %c0_i32, %c0_i32_0 : i32, i32
  }
  func.func @transform_5(%arg0: i32) -> (i32, i32) {
    %c0_i32 = arith.constant 0 : i32
    %c0_i32_0 = arith.constant 0 : i32
    %c0_i32_1 = arith.constant 0 : i32
    return %c0_i32, %c0_i32_0 : i32, i32
  }
  func.func @transform_6(%arg0: i32) -> (i32, i32) {
    %c0_i32 = arith.constant 0 : i32
    %c0_i32_0 = arith.constant 0 : i32
    %c0_i32_1 = arith.constant 0 : i32
    return %c0_i32, %c0_i32_0 : i32, i32
  }
  func.func @transform_7(%arg0: i32) -> (i32, i32) {
    %c0_i32 = arith.constant 0 : i32
    %c0_i32_0 = arith.constant 0 : i32
    %c0_i32_1 = arith.constant 0 : i32
    return %c0_i32, %c0_i32_0 : i32, i32
  }
  func.func @transform_8(%arg0: i32) -> (i32, i32) {
    %c0_i32 = arith.constant 0 : i32
    %c0_i32_0 = arith.constant 0 : i32
    %c0_i32_1 = arith.constant 0 : i32
    return %c0_i32, %c0_i32_0 : i32, i32
  }
  func.func @transform_9(%arg0: i32) -> (i32, i32) {
    %c0_i32 = arith.constant 0 : i32
    %c0_i32_0 = arith.constant 0 : i32
    %c0_i32_1 = arith.constant 0 : i32
    return %c0_i32, %c0_i32_0 : i32, i32
  }
  func.func @transform_10(%arg0: i32) -> (i32, i32) {
    %c0_i32 = arith.constant 0 : i32
    %c0_i32_0 = arith.constant 0 : i32
    %c0_i32_1 = arith.constant 0 : i32
    return %c0_i32, %c0_i32_0 : i32, i32
  }
  func.func @transform_11(%arg0: i32) -> (i32, i32) {
    %c0_i32 = arith.constant 0 : i32
    %c0_i32_0 = arith.constant 0 : i32
    %c0_i32_1 = arith.constant 0 : i32
    return %c0_i32, %c0_i32_0 : i32, i32
  }
  func.func @transform_12(%arg0: i32) -> (i32, i32) {
    %c0_i32 = arith.constant 0 : i32
    %c0_i32_0 = arith.constant 0 : i32
    %c0_i32_1 = arith.constant 0 : i32
    return %c0_i32, %c0_i32_0 : i32, i32
  }
  func.func @transform_13(%arg0: i32) -> (i32, i32) {
    %c0_i32 = arith.constant 0 : i32
    %c0_i32_0 = arith.constant 0 : i32
    %c0_i32_1 = arith.constant 0 : i32
    return %c0_i32, %c0_i32_0 : i32, i32
  }
  func.func @transform_14(%arg0: i32) -> (i32, i32) {
    %c0_i32 = arith.constant 0 : i32
    %c0_i32_0 = arith.constant 0 : i32
    %c0_i32_1 = arith.constant 0 : i32
    return %c0_i32, %c0_i32_0 : i32, i32
  }
  func.func @transform_15(%arg0: i32) -> (i32, i32) {
    %c0_i32 = arith.constant 0 : i32
    %c0_i32_0 = arith.constant 0 : i32
    %c0_i32_1 = arith.constant 0 : i32
    return %c0_i32, %c0_i32_0 : i32, i32
  }
  func.func @transform_16(%arg0: i32) -> (i32, i32) {
    %c0_i32 = arith.constant 0 : i32
    %c0_i32_0 = arith.constant 0 : i32
    %c0_i32_1 = arith.constant 0 : i32
    return %c0_i32, %c0_i32_0 : i32, i32
  }
  func.func @transform_17(%arg0: i32) -> (i32, i32) {
    %c0_i32 = arith.constant 0 : i32
    %c0_i32_0 = arith.constant 0 : i32
    %c0_i32_1 = arith.constant 0 : i32
    return %c0_i32, %c0_i32_0 : i32, i32
  }
  func.func @transform_18(%arg0: i32) -> (i32, i32) {
    %c0_i32 = arith.constant 0 : i32
    %c0_i32_0 = arith.constant 0 : i32
    %c0_i32_1 = arith.constant 0 : i32
    return %c0_i32, %c0_i32_0 : i32, i32
  }
  func.func @transform_19(%arg0: i32) -> (i32, i32) {
    %c0_i32 = arith.constant 0 : i32
    %c0_i32_0 = arith.constant 0 : i32
    %c0_i32_1 = arith.constant 0 : i32
    return %c0_i32, %c0_i32_0 : i32, i32
  }
  func.func @transform_20(%arg0: i32) -> (i32, i32) {
    %c0_i32 = arith.constant 0 : i32
    %c0_i32_0 = arith.constant 0 : i32
    %c0_i32_1 = arith.constant 0 : i32
    return %c0_i32, %c0_i32_0 : i32, i32
  }
  func.func @transform_21(%arg0: i32) -> (i32, i32) {
    %c0_i32 = arith.constant 0 : i32
    %c0_i32_0 = arith.constant 0 : i32
    %c0_i32_1 = arith.constant 0 : i32
    return %c0_i32, %c0_i32_0 : i32, i32
  }
  func.func @transform_22(%arg0: i32) -> (i32, i32) {
    %c0_i32 = arith.constant 0 : i32
    %c0_i32_0 = arith.constant 0 : i32
    %c0_i32_1 = arith.constant 0 : i32
    return %c0_i32, %c0_i32_0 : i32, i32
  }
  func.func @transform_23(%arg0: i32) -> (i32, i32) {
    %c0_i32 = arith.constant 0 : i32
    %c0_i32_0 = arith.constant 0 : i32
    %c0_i32_1 = arith.constant 0 : i32
    return %c0_i32, %c0_i32_0 : i32, i32
  }
  func.func @transform_24(%arg0: i32) -> (i32, i32) {
    %c0_i32 = arith.constant 0 : i32
    %c0_i32_0 = arith.constant 0 : i32
    %c0_i32_1 = arith.constant 0 : i32
    return %c0_i32, %c0_i32_0 : i32, i32
  }
  func.func @transform_25(%arg0: i32) -> (i32, i32) {
    %c0_i32 = arith.constant 0 : i32
    %c0_i32_0 = arith.constant 0 : i32
    return %arg0, %c0_i32 : i32, i32
  }
  func.func @transform_26(%arg0: i32) -> (i32, i32) {
    %c0_i32 = arith.constant 0 : i32
    %c0_i32_0 = arith.constant 0 : i32
    return %arg0, %c0_i32 : i32, i32
  }
}

</mosaic_0001>

<sc_bundles>
// kernel: kernel.5.cloned.1.call-start
scs
__scs_entry_jumppad:
0x0: {  	(pc) =	sbr.rel $0x88, $3  }
0x1: {  	(tag) =	ssettag $0x0;
	lr =	simm.s32 $0x1  }
0x2: {  	[smem:$0x3F89] =	sst lr;
	_ =	strace $0xD0000000  }
0x3: {  	_ = 	snop  }
0x4: {  	_ = 	snop  }
0x5: {  	_ = 	snop  }
0x6: {  	_ = 	snop  }
0x7: {  	_ = 	snop  }
__scs_overlays_trampoline_lowered:
0x8: {  	[smem:$0x3F98] =	sst s0  }
0x9: {  	[smem:$0x3F99] =	sst s1  }
0xa: {  	[smem:$0x3F9A] =	sst s2  }
0xb: {  	[smem:$0x3F9B] =	sst s3  }
0xc: {  	[smem:$0x3F9C] =	sst s4  }
0xd: {  	[smem:$0x3F9D] =	sst s5  }
0xe: {  	[smem:$0x3F9E] =	sst s6  }
0xf: {  	[smem:$0x3F9F] =	sst s7  }
0x10: {  	[smem:$0x3FA0] =	sst s8  }
0x11: {  	[smem:$0x3FA1] =	sst s9;
	s0 =	simm.s32 @!p0 $0x0  }
0x12: {  	s1 =	sld [smem:$0x3F87];
	s0 =	simm.s32 @p0 $0x1  }
0x13: {  	[smem:$0x3FA2] =	sst s0;
	s0 =	simm.s32 @!p1 $0x0  }
0x14: {  	s2 =	sld [smem:$0x3F86];
	s0 =	simm.s32 @p1 $0x1  }
0x15: {  	[smem:$0x3FA3] =	sst s0;
	s0 =	simm.s32 @!p2 $0x0  }
0x16: {  	s3 =	sld [smem:$0x3FDB];
	s0 =	simm.s32 @p2 $0x1  }
0x17: {  	s4 =	simm.s32 $0x1BF5;
	[smem:$0x3FA5] =	sst s0  }
0x18: {  	s0 =	sld [smem:$0x3F88];
	_ =	swait.ge [sflag:s4], $0x0  }
0x19: {  	s7 =	sld [smem:$0x3F89]  }
0x1a: {  	s8 =	sadd.s32 $0xFFFFE003, lr  }
0x1b: {  	s9 =	sadd.s32 $0xFFFFFEF7, lr;
	s5 =	simm.s32 $0xFFFFFFFF;
	p2 =	slt.u32 s8, $0xFFFFF086  }
0x1c: {  	p1 =	slt.u32 s9, $0xF7A;
	s5 =	simm.s32 @!p2 $0x0  }
0x1d: {  	s5 =	simm.s32 @p1 $0x1;
	p0 =	seq.s32 s7, s2  }
0x1e: {  	s7 =	smul.u32 @!p0 $0xF7A, s2;
	p2 =	seq.s32 @!p0 s5, $0x0  }
0x1f: {  	s9 =	smul.u32 $0xF7A, s1;
	s8 =	simm.s32 @!p0 $0x1BF5;
	p2 =	por !p2, p0  }
0x20: {  	[sflag:s8] =	ssyncset.s32 @!p0 $0xFFFFF086;
	s6 =	sadd.s32 @!p0 s3, s7;
	s7 =	simm.s32 @!p0 $0x108  }
0x21: {  	s3 =	sadd.s32 s3, s9;
	s6 =	sadd.s32 @!p0 $0x88, s6;
	s7 =	simm.s32 @p2 $0x1082  }
0x22: {  	[simem:s7], [sflag:s8] =	dma.local @!p0 [hbm:s6], $0xF7A  }
0x23: {  	s9 =	sor.u32 $0xD0000000, s2;
	s6 =	simm.s32 $0x108;
	_ =	swait.ge @!p0 [sflag:s8], $0x0  }
0x24: {  	s3 =	sadd.s32 $0x88, s3;
	s6 =	simm.s32 @!p1 $0x1082;
	[sflag:s4] =	ssyncset.s32 $0xFFFFF086  }
0x25: {  	[simem:s6], [sflag:s4] =	dma.local [hbm:s3], $0xF7A  }
0x26: {  	[smem:$0x3F89] =	sst s1;
	(tag) =	ssettag s2;
	_ =	strace s9  }
0x27: {  	s1 =	sld [smem:$0x3F99]  }
0x28: {  	s2 =	sld [smem:$0x3F9A]  }
0x29: {  	s4 =	sld [smem:$0x3F9C]  }
0x2a: {  	p0 =	seq.s32 s5, $0x0;
	s5 =	sld [smem:$0x3F9D]  }
0x2b: {  	s6 =	sld [smem:$0x3F9E]  }
0x2c: {  	s7 =	sld [smem:$0x3F9F]  }
0x2d: {  	s3 =	simm.s32 $0x108;
	s8 =	sld [smem:$0x3FA0]  }
0x2e: {  	s3 =	simm.s32 @!p0 $0x1082;
	s9 =	sld [smem:$0x3FA1]  }
0x2f: {  	lr =	sadd.s32 s0, s3;
	s0 =	sld [smem:$0x3F98]  }
0x30: {  	s3 =	sld [smem:$0x3F9B]  }
0x31: {  	[smem:$0x3FA4] =	sst s10  }
0x32: {  	s10 =	sld [smem:$0x3FA2];
	_ =	sdelay $0x3  }
0x33: {  	p0 =	seq.s32 s10, $0x1;
	s10 =	sld [smem:$0x3FA4];
	_ =	sdelay $0x3  }
0x34: {  	[smem:$0x3FA4] =	sst s10  }
0x35: {  	s10 =	sld [smem:$0x3FA3];
	_ =	sdelay $0x3  }
0x36: {  	p1 =	seq.s32 s10, $0x1;
	s10 =	sld [smem:$0x3FA4];
	_ =	sdelay $0x3  }
0x37: {  	[smem:$0x3FA4] =	sst s10  }
0x38: {  	s10 =	sld [smem:$0x3FA5]  }
0x39: {  	_ = 	snop;
	(pc) =	sbr.ind lr, $3  }
0x3a: {  	_ = 	snop  }
0x3b: {  	_ = 	snop  }
0x3c: {  	p2 =	seq.s32 s10, $0x1;
	s10 =	sld [smem:$0x3FA4]  }
0x3d: {  	_ =	shalt  }
0x3e: {  	_ =	shalt  }
0x3f: {  	_ =	shalt  }
0x40: {  	_ =	shalt  }
0x41: {  	_ =	shalt  }
0x42: {  	_ =	shalt  }
0x43: {  	_ =	shalt  }
0x44: {  	_ =	shalt  }
0x45: {  	_ =	shalt  }
0x46: {  	_ =	shalt  }
0x47: {  	_ =	shalt  }
0x48: {  	_ =	shalt  }
0x49: {  	_ =	shalt  }
0x4a: {  	_ =	shalt  }
0x4b: {  	_ =	shalt  }
0x4c: {  	_ =	shalt  }
0x4d: {  	_ =	shalt  }
0x4e: {  	_ =	shalt  }
0x4f: {  	_ =	shalt  }
0x50: {  	_ =	shalt  }
0x51: {  	_ =	shalt  }
0x52: {  	_ =	shalt  }
0x53: {  	_ =	shalt  }
0x54: {  	_ =	shalt  }
0x55: {  	_ =	shalt  }
0x56: {  	_ =	shalt  }
0x57: {  	_ =	shalt  }
0x58: {  	_ =	shalt  }
0x59: {  	_ =	shalt  }
0x5a: {  	_ =	shalt  }
0x5b: {  	_ =	shalt  }
0x5c: {  	_ =	shalt  }
0x5d: {  	_ =	shalt  }
0x5e: {  	_ =	shalt  }
0x5f: {  	_ =	shalt  }
0x60: {  	_ =	shalt  }
0x61: {  	_ =	shalt  }
0x62: {  	_ =	shalt  }
0x63: {  	_ =	shalt  }
0x64: {  	_ =	shalt  }
0x65: {  	_ =	shalt  }
0x66: {  	_ =	shalt  }
0x67: {  	_ =	shalt  }
0x68: {  	_ =	shalt  }
0x69: {  	_ =	shalt  }
0x6a: {  	_ =	shalt  }
0x6b: {  	_ =	shalt  }
0x6c: {  	_ =	shalt  }
0x6d: {  	_ =	shalt  }
0x6e: {  	_ =	shalt  }
0x6f: {  	_ =	shalt  }
0x70: {  	_ =	shalt  }
0x71: {  	_ =	shalt  }
0x72: {  	_ =	shalt  }
0x73: {  	_ =	shalt  }
0x74: {  	_ =	shalt  }
0x75: {  	_ =	shalt  }
0x76: {  	_ =	shalt  }
0x77: {  	_ =	shalt  }
0x78: {  	_ =	shalt  }
0x79: {  	_ =	shalt  }
0x7a: {  	_ =	shalt  }
0x7b: {  	_ =	shalt  }
0x7c: {  	_ =	shalt  }
0x7d: {  	_ =	shalt  }
0x7e: {  	_ =	shalt  }
0x7f: {  	_ =	shalt  }
0x80: {  	_ =	shalt  }
0x81: {  	_ =	shalt  }
0x82: {  	_ =	shalt  }
0x83: {  	_ =	shalt  }
0x84: {  	_ =	shalt  }
0x85: {  	_ =	shalt  }
0x86: {  	_ =	shalt  }
0x87: {  	_ =	shalt  }
.Lfunc_end0:
.L_simem_size_0:
called_computation.1_lowered:
.L_overlay_start_0:
0x88: {  	s2 =	sld [smem:$0x3FD9]  }
0x89: {  	s3 =	sld [smem:$0x3FFE];
	_ =	sdelay $0x1  }
0x8a: {  	s1 =	srdreg.scid  }
0x8b: {  	s0 =	sand.u32 $0x1, s1  }
0x8c: {  	s14 =	sshll.u32 s0, $0xA;
	s2 =	sadd.s32 s3, s2  }
0x8d: {  	s2 =	sadd.s32 s2, s14  }
0x8e: {  	[smem:$0x3FB0] =	sst s2  }
0x8f: {  	_ = 	snop  }
0x90: {  	s2 =	sld [smem:$0x3FD0];
	_ =	sdelay $0x2  }
0x91: {  	s15 =	simm.s32 $0xA;
	s4 =	simm.s32 $0x10  }
0x92: {  	[smem:s4], [sflag:s15] =	dma.local [hbm:s2], $0x1  }
0x93: {  	_ =	swait.eq [sflag:s15], $0x1  }
0x94: {  	[sflag:s15] =	ssyncset.done $0x0  }
0x95: {  	s16 =	sld [smem:$0x10];
	[sflag:s15] =	ssyncadd.s32 $0xFFFFFFFF  }
0x96: {  	s17 =	sld [smem:$0x11];
	(tm) =	ssettm $0x1  }
0x97: {  	s18 =	sld [smem:$0x3FFB];
	_ =	sdelay $0x3  }
0x98: {  	_ =	strace s18  }
0x99: {  	s4 =	sld [smem:$0x3FFC];
	_ =	sdelay $0x3  }
0x9a: {  	_ =	strace s4  }
0x9b: {  	s4 =	sld [smem:$0x3FFD];
	_ =	sdelay $0x3  }
0x9c: {  	_ =	strace s4  }
0x9d: {  	_ =	strace $0x8FFFFFFF  }
0x9e: {  	s19 =	sld [smem:$0x3FDB];
	_ =	sdelay $0x1  }
0x9f: {  	s5 =	simm.s32 $_scs_section_size  }
0xa0: {  	s6 =	simm.s32 $_size__tile_overlayer_lowered;
	s7 =	simm.s32 $_tile_overlayer_lowered  }
0xa1: {  	s22 =	simm.s32 $0x1BFF;
	s21 =	sshll.u32 s7, $0x1;
	s4 =	sadd.s32 s5, s19  }
0xa2: {  	s8 =	simm.s32 $0x0;
	s20 =	sshll.u32 s6, $0x1;
	s6 =	sadd.s32 s21, s4  }
0xa3: {  	[timem:s8], [sflag:s22] =	dma.local [hbm:s6], s20  }
0xa4: {  	_ =	swait.ge [sflag:s22], s20  }
0xa5: {  	s5 =	ssub.s32 $0x0, s20;
	[sflag:s22] =	ssyncset.done $0x0  }
0xa6: {  	[sflag:s22] =	ssyncadd.s32 s5;
	_ =	sdelay $0x1  }
0xa7: {  	s23 =	simm.s32 $0x1B8B  }
0xa8: {  	_ =	swait.ge [sflag:s23], $0x1  }
0xa9: {  	[sflag:s23] =	ssyncset.done $0x0  }
0xaa: {  	s25 =	simm.s32 $0x1B8E;
	s24 =	sld [smem:$0x3FFE];
	[sflag:s23] =	ssyncadd.s32 $0xFFFFFFFF  }
0xab: {  	s26 =	simm.s32 $execute0_lowered;
	[smem:$0x3FD2] =	sst s25  }
0xac: {  	s6 =	sshll.u32 s26, $0x1;
	_ =	strace $0x80000049;
	[dreg:$0x1] =	wrdreg $0xFFFFFFFF  }
0xad: {  	s28 =	simm.s32 $_size_execute0_lowered;
	s4 =	sadd.s32 s4, s6;
	[dreg:$0x0] =	wrdreg $0x0  }
0xae: {  	s6 =	sshll.u32 s28, $0x1;
	[dreg:$0x2] =	wrdreg s4  }
0xaf: {  	[dreg:$0x3] =	wrdreg s6  }
0xb0: {  	[dreg:$0x4] =	wrdreg $0xC0  }
0xb1: {  	_ =	task [dreg:s8], $0x5FFFF  }
0xb2: {  	[dreg:$0x1] =	wrdreg $0xFFFFFFFF  }
0xb3: {  	[dreg:$0x0] =	wrdreg $0x60  }
0xb4: {  	[dreg:$0x2] =	wrdreg s16  }
0xb5: {  	[dreg:$0x3] =	wrdreg s24  }
0xb6: {  	[dreg:$0x4] =	wrdreg s17  }
0xb7: {  	[dreg:$0x5] =	wrdreg $0xD4500  }
0xb8: {  	[dreg:$0x6] =	wrdreg $0x9  }
0xb9: {  	_ =	task.clear_ibuf [dreg:s8], $0x7FFFF;
	_ =	strace $0x90000049  }
0xba: {  	s29 =	simm.s32 $0x9;
	_ =	strace $0x8000004B  }
0xbb: {  	_ =	swait.ge [sflag:s29], $0x1  }
0xbc: {  	[sflag:s29] =	ssyncadd.s32 $0xFFFFFFFF  }
0xbd: {  	_ =	strace $0x9000004B  }
0xbe: {  	_ =	sfence  }
0xbf: {  	s30 =	sld [smem:$0x0];
	_ =	sdelay $0x2  }
0xc0: {  	s31 =	sshll.u32 s1, $0xD;
	s1 =	sshrl.u32 s1, $0x2  }
0xc1: {  	s3 =	sand.u32 $0x4000, s31;
	s1 =	sadd.s32 s1, s30  }
0xc2: {  	s0 =	sor.u32 s3, s0;
	s1 =	sshll.u32 s1, $0x11  }
0xc3: {  	s0 =	sor.u32 s1, s0  }
0xc4: {  	s0 =	sadd.s32 $0x8F2B, s0  }
0xc5: {  	[sflag:s0] =	ssyncadd.remote.s32 $0x1  }
0xc6: {  	_ =	sfence.sel $0xFFFF  }
0xc7: {  	[dreg:$0x0] =	wrdreg $0xFFFFFFFF;
	(pc) =	sbr.abs _section_cstart, $3  }
0xc8: {  	[dreg:$0x1] =	wrdreg $0xFFFFFFFF  }
0xc9: {  	_ =	task.clear_ibuf [dreg:s8], $0x2FFFF;
	_ =	strace $0x9FFFFFFF  }
0xca: {  	(tm) =	ssettm $0x7FFFFFFF  }
0xcb: {  	_ =	shalt  }
tec
execute0_lowered:
.L_overlay_start_1:
0x0: {  	(tag) =	ssettag $0x1  }
0x1: {  	s1 =	rddreg [dreg:$0x0]  }
0x2: {  	s0 =	rddreg [dreg:$0x1]  }
0x3: {  	s12 =	rddreg [dreg:$0x2]  }
0x4: {  	s2 =	rddreg [dreg:$0x3];
	s4 =	simm.s32 $0x0;
	s3 =	srdreg.scid  }
0x5: {  	s18 =	simm.s32 $0x1100;
	s19 =	simm.s32 $0x5;
	s20 =	simm.s32 $0x100  }
0x6: {  	s21 =	simm.s32 $0x80;
	s22 =	simm.s32 $0x900;
	s23 =	simm.s32 $0x1  }
0x7: {  	s28 =	simm.s32 $0x0;
	[smem:$0x7FF] =	sst s4;
	s9 =	sand.u32 $0x1, s3  }
0x8: {  	s3 =	stileid.u32;
	s6 =	sadd.s32 $0x18AE00, s0;
	s5 =	smul.u32 $0xC35, s9  }
0x9: {  	s7 =	ssub.s32 $0x2, s9;
	s8 =	smul.u32 $0x30D40, s3;
	s9 =	sshll.u32 s9, $0x4  }
0xa: {  	_ =	strace $0x8000004A;
	s24 =	sshrl.u32 s7, $0x1;
	s9 =	sor.u32 s3, s9  }
0xb: {  	s10 =	sadd.s32 s3, s5;
	s0 =	ssub.s32 s7, s24;
	s25 =	sshrl.u32 s8, $0x2  }
0xc: {  	s15 =	smul.u32 $0x186A, s9;
	s30 =	sadd.s32 $0xC34, s5;
	s24 =	simm.s32 $0x3  }
0xd: {  	s26 =	sshll.u32 s10, $0x4;
	s7 =	sadd.s32 s25, s2;
	s11 =	sshll.u32 s10, $0x8  }
0xe: {  	s10 =	sadd.s32 $0x10, s10;
	s25 =	sor.u32 $0xC20, s3;
	s31 =	sshll.u32 s30, $0x4  }
0xf: {  	s8 =	sadd.s32 s1, s26;
	s13 =	sshll.u32 s10, $0x4;
	s14 =	sshll.u32 s10, $0x8  }
0x10: {  	s9 =	sadd.s32 s6, s11;
	s12 =	sadd.s32 s12, s15;
	p0 =	sgt.u32 s25, $0xC24  }
0x11: {  	s25 =	simm.s32 $0x2;
	s26 =	simm.s32 $0x4;
	s29 =	sadd.s32 s1, s13  }
0x12: {  	s11 =	sadd.s32 s6, s14;
	s13 =	smax.u32 s0, $0x1;
	s0 =	sshll.u32 s30, $0x8  }
0x13: {  	s14 =	sadd.s32 s1, s31;
	s16 =	sadd.s32 $0x2000, s9;
	s10 =	smov.u32 s8  }
0x14: {  	v0 =	vimm.f32 $0.0e+00;
	s17 =	sadd.s32 $0x200, s8;
	[dreg:$0x5] =	wrdreg s29;
	s15 =	sadd.s32 s6, s0  }
.LBB2_1:
0x15: {  	s29 =	simm.s32 $0x40;
	s0 =	simm.s32 $0x0  }
.LBB2_2:
0x16: {  	p1 =	sne.s32 s29, $0x30D00;
	[tilespmem:s0+$0x1100] =	vst v0;
	s0 =	smov.u32 s29;
	s29 =	sadd.s32 $0x40, s29  }
.Ltmp0:
0x17: {  	(pc) =	sbr.rel @p1 .LBB2_2-.Ltmp0, $2  }
0x18: {  	_ =	sdelay $0x2  }
0x19: {  	s0 =	sshra.s32 s0, $0x2  }
0x1a: {  	[tilespmem:s0+$0x1100] =	vst v0  }
0x1b: {  	[spmem:s7] =	stream.linear.scatter [tilespmem:s18], [sflag:$0x5], $0xC350, $0x38;
	[tilespmem:$0x197A0] =	vst v63  }
0x1c: {  	_ =	swait.ge [sflag:s19], $0xC350  }
0x1d: {  	[sflag:s19] =	ssyncset.done $0x0  }
0x1e: {  	[sflag:s19] =	ssyncadd.s32 $0xFFFF3CB0  }
0x1f: {  	[bflag:$0x0] =	sbarrier.arrive $0xFFFF  }
0x20: {  	[tilespmem:s4], [sflag:$0x1] =	stream.linear.gather [hbm4b:s10+s4], $0x80, $0x38;
	[tilespmem:$0x197A0] =	vst v63  }
0x21: {  	_ = 	snop  }
0x22: {  	[tilespmem:s20], [sflag:$0x3] =	stream.linear.gather [hbm4b:s9+s4], $0x800, $0x38;
	[tilespmem:$0x197A0] =	vst v63  }
0x23: {  	s8 =	rddreg [dreg:$0x5]  }
0x24: {  	[tilespmem:s21], [sflag:$0x2] =	stream.linear.gather [hbm4b:s8+s4], $0x80, $0x38;
	[tilespmem:$0x197A0] =	vst v63  }
0x25: {  	_ = 	snop  }
0x26: {  	[tilespmem:s22], [sflag:$0x4] =	stream.linear.gather [hbm4b:s11+s4], $0x800, $0x38;
	[tilespmem:$0x197A0] =	vst v63  }
0x27: {  	_ =	swait.ge [sflag:s23], $0x80  }
0x28: {  	[sflag:s23] =	ssyncset.done $0x0  }
0x29: {  	[sflag:s23] =	ssyncadd.s32 $0xFFFFFF80  }
0x2a: {  	_ =	swait.ge [sflag:s24], $0x800  }
0x2b: {  	[sflag:s24] =	ssyncset.done $0x0  }
0x2c: {  	[sflag:s24] =	ssyncadd.s32 $0xFFFFF800  }
0x2d: {  	[spmem:s2] =	stream.indirect.scatter.add.f32 [tilespmem:s20], [sflag:$0x5], $0x10, s4, s21, $0xb8;
	[tilespmem:$0x197A0] =	vst v63  }
0x2e: {  	_ =	swait.ge [sflag:s19], $0x800  }
0x2f: {  	[sflag:s19] =	ssyncset.done $0x0  }
0x30: {  	[sflag:s19] =	ssyncadd.s32 $0xFFFFF800  }
0x31: {  	[tilespmem:s4], [sflag:$0x1] =	stream.linear.gather [hbm4b:s17+s4], $0x80, $0x38;
	[tilespmem:$0x197A0] =	vst v63  }
0x32: {  	_ = 	snop  }
0x33: {  	[tilespmem:s20], [sflag:$0x3] =	stream.linear.gather [hbm4b:s16+s4], $0x800, $0x38;
	[tilespmem:$0x197A0] =	vst v63  }
0x34: {  	_ =	swait.ge [sflag:s25], $0x80  }
0x35: {  	[sflag:s25] =	ssyncset.done $0x0  }
0x36: {  	s0 =	sadd.s32 $0x30, s3;
	[sflag:s25] =	ssyncadd.s32 $0xFFFFFF80  }
0x37: {  	p1 =	slt.s32 s0, $0xC34;
	_ =	swait.ge [sflag:s26], $0x800  }
0x38: {  	s0 =	simm.s32 @!p1 $0xC34;
	[sflag:s26] =	ssyncset.done $0x0  }
0x39: {  	s0 =	sadd.s32 s5, s0;
	[sflag:s26] =	ssyncadd.s32 $0xFFFFF800  }
0x3a: {  	[spmem:s2] =	stream.indirect.scatter.add.f32 [tilespmem:s22], [sflag:$0x5], $0x10, s21, s21, $0xb8;
	[tilespmem:$0x197A0] =	vst v63  }
0x3b: {  	s29 =	sshll.u32 s0, $0x4;
	_ =	swait.ge [sflag:s19], $0x800  }
0x3c: {  	s30 =	smov.u32 s16;
	s29 =	sand.u32 $0x1FFFFFF0, s29;
	[sflag:s19] =	ssyncset.done $0x0  }
0x3d: {  	s0 =	sshll.u32 s0, $0x8;
	s29 =	sadd.s32 s1, s29;
	[sflag:s19] =	ssyncadd.s32 $0xFFFFF800  }
0x3e: {  	[tilespmem:s21], [sflag:$0x2] =	stream.linear.gather [hbm4b:s29+s4], $0x80, $0x38;
	[tilespmem:$0x197A0] =	vst v63  }
0x3f: {  	s31 =	smov.u32 s17;
	s0 =	sand.u32 $0x1FFFFF00, s0;
	s29 =	simm.s32 $0x50  }
.LBB2_4:
0x40: {  	s0 =	sadd.s32 s6, s0  }
0x41: {  	s30 =	sadd.s32 $0x2000, s30;
	s31 =	sadd.s32 $0x200, s31;
	s8 =	smov.u32 s29  }
0x42: {  	[tilespmem:s22], [sflag:$0x4] =	stream.linear.gather [hbm4b:s0+s4], $0x800, $0x38;
	[tilespmem:$0x197A0] =	vst v63  }
0x43: {  	p1 =	sne.s32 s29, $0xC30;
	s29 =	sadd.s32 $0x20, s29;
	_ =	swait.ge [sflag:s23], $0x80  }
0x44: {  	[sflag:s23] =	ssyncset.done $0x0  }
0x45: {  	[sflag:s23] =	ssyncadd.s32 $0xFFFFFF80  }
0x46: {  	_ =	swait.ge [sflag:s24], $0x800  }
0x47: {  	[sflag:s24] =	ssyncset.done $0x0  }
0x48: {  	[sflag:s24] =	ssyncadd.s32 $0xFFFFF800  }
0x49: {  	[spmem:s2] =	stream.indirect.scatter.add.f32 [tilespmem:s20], [sflag:$0x5], $0x10, s4, s21, $0xb8;
	[tilespmem:$0x197A0] =	vst v63  }
0x4a: {  	_ =	swait.ge [sflag:s19], $0x800  }
0x4b: {  	[sflag:s19] =	ssyncset.done $0x0  }
0x4c: {  	[sflag:s19] =	ssyncadd.s32 $0xFFFFF800  }
0x4d: {  	[tilespmem:s4], [sflag:$0x1] =	stream.linear.gather [hbm4b:s31+s4], $0x80, $0x38;
	[tilespmem:$0x197A0] =	vst v63  }
0x4e: {  	_ = 	snop  }
0x4f: {  	[tilespmem:s20], [sflag:$0x3] =	stream.linear.gather [hbm4b:s30+s4], $0x800, $0x38;
	[tilespmem:$0x197A0] =	vst v63  }
0x50: {  	_ =	swait.ge [sflag:s25], $0x80  }
0x51: {  	[sflag:s25] =	ssyncset.done $0x0  }
0x52: {  	[sflag:s25] =	ssyncadd.s32 $0xFFFFFF80  }
0x53: {  	s0 =	sadd.s32 s8, s3;
	_ =	swait.ge [sflag:s26], $0x800  }
0x54: {  	p2 =	slt.s32 s0, $0xC34;
	[sflag:s26] =	ssyncset.done $0x0  }
0x55: {  	s0 =	simm.s32 @!p2 $0xC34;
	[sflag:s26] =	ssyncadd.s32 $0xFFFFF800  }
0x56: {  	[spmem:s2] =	stream.indirect.scatter.add.f32 [tilespmem:s22], [sflag:$0x5], $0x10, s21, s21, $0xb8;
	[tilespmem:$0x197A0] =	vst v63  }
.Ltmp1:
0x57: {  	s0 =	sadd.s32 s5, s0;
	_ =	swait.ge [sflag:s19], $0x800;
	(pc) =	sbr.rel @p1 .LBB2_4-.Ltmp1, $4  }
0x58: {  	s8 =	sshll.u32 s0, $0x4;
	s0 =	sshll.u32 s0, $0x8;
	[sflag:s19] =	ssyncset.done $0x0  }
0x59: {  	s8 =	sand.u32 $0x1FFFFFF0, s8;
	[sflag:s19] =	ssyncadd.s32 $0xFFFFF800  }
0x5a: {  	s0 =	sand.u32 $0x1FFFFF00, s0;
	s8 =	sadd.s32 s1, s8  }
0x5b: {  	[tilespmem:s21], [sflag:$0x2] =	stream.linear.gather [hbm4b:s8+s4], $0x80, $0x38;
	[tilespmem:$0x197A0] =	vst v63  }
0x5c: {  	s0 =	sadd.s32 s6, s0  }
0x5d: {  	[tilespmem:s22], [sflag:$0x4] =	stream.linear.gather [hbm4b:s0+s4], $0x800, $0x38;
	[tilespmem:$0x197A0] =	vst v63  }
0x5e: {  	_ =	swait.ge [sflag:s23], $0x80  }
0x5f: {  	[sflag:s23] =	ssyncset.done $0x0  }
0x60: {  	[sflag:s23] =	ssyncadd.s32 $0xFFFFFF80  }
0x61: {  	_ =	swait.ge [sflag:s24], $0x800  }
0x62: {  	[sflag:s24] =	ssyncset.done $0x0  }
0x63: {  	[sflag:s24] =	ssyncadd.s32 $0xFFFFF800  }
0x64: {  	[spmem:s2] =	stream.indirect.scatter.add.f32 [tilespmem:s20], [sflag:$0x5], $0x10, s4, s21, $0xb8;
	[tilespmem:$0x197A0] =	vst v63  }
0x65: {  	_ =	swait.ge [sflag:s19], $0x800  }
0x66: {  	[sflag:s19] =	ssyncset.done $0x0  }
0x67: {  	[sflag:s19] =	ssyncadd.s32 $0xFFFFF800  }
0x68: {  	[tilespmem:s4], [sflag:$0x1] =	stream.linear.gather [hbm4b:s14+s4], $0x80, $0x38;
	[tilespmem:$0x197A0] =	vst v63  }
0x69: {  	_ = 	snop  }
0x6a: {  	[tilespmem:s20], [sflag:$0x3] =	stream.linear.gather [hbm4b:s15+s4], $0x800, $0x38;
	[tilespmem:$0x197A0] =	vst v63  }
0x6b: {  	_ =	swait.ge [sflag:s25], $0x80  }
0x6c: {  	[sflag:s25] =	ssyncset.done $0x0  }
0x6d: {  	[sflag:s25] =	ssyncadd.s32 $0xFFFFFF80  }
0x6e: {  	_ =	swait.ge [sflag:s26], $0x800  }
0x6f: {  	[sflag:s26] =	ssyncset.done $0x0  }
0x70: {  	s8 =	simm.s32 @!p0 $0x900;
	s0 =	simm.s32 @!p0 $0x80;
	[sflag:s26] =	ssyncadd.s32 $0xFFFFF800  }
0x71: {  	[spmem:s2] =	stream.indirect.scatter.add.f32 @!p0 [tilespmem:s8], [sflag:$0x5], $0x10, s0, s0, $0xb8;
	[tilespmem:$0x197A0] =	vst v63  }
0x72: {  	s0 =	simm.s32 @!p0 $0x5  }
0x73: {  	_ =	swait.ge @!p0 [sflag:s0], $0x800  }
0x74: {  	[sflag:s0] =	ssyncset.done @!p0 $0x0  }
0x75: {  	[sflag:s0] =	ssyncadd.s32 @!p0 $0xFFFFF800  }
0x76: {  	[tilespmem:s21], [sflag:$0x2] =	stream.linear.gather [hbm4b:s14+s4], $0x80, $0x38;
	[tilespmem:$0x197A0] =	vst v63  }
0x77: {  	_ = 	snop  }
0x78: {  	[tilespmem:s22], [sflag:$0x4] =	stream.linear.gather [hbm4b:s15+s4], $0x800, $0x38;
	[tilespmem:$0x197A0] =	vst v63  }
0x79: {  	_ =	swait.ge [sflag:s23], $0x80  }
0x7a: {  	[sflag:s23] =	ssyncset.done $0x0  }
0x7b: {  	[sflag:s23] =	ssyncadd.s32 $0xFFFFFF80  }
0x7c: {  	_ =	swait.ge [sflag:s24], $0x800  }
0x7d: {  	[sflag:s24] =	ssyncset.done $0x0  }
0x7e: {  	[sflag:s24] =	ssyncadd.s32 $0xFFFFF800  }
0x7f: {  	_ =	swait.ge [sflag:s25], $0x80  }
0x80: {  	[sflag:s25] =	ssyncset.done $0x0  }
0x81: {  	[sflag:s25] =	ssyncadd.s32 $0xFFFFFF80  }
0x82: {  	_ =	swait.ge [sflag:s26], $0x800  }
0x83: {  	[sflag:s26] =	ssyncset.done $0x0  }
0x84: {  	[sflag:s26] =	ssyncadd.s32 $0xFFFFF800  }
0x85: {  	[bflag:$0x0] =	sbarrier.arrive $0xFFFF  }
0x86: {  	[tilespmem:s18], [sflag:$0x5] =	stream.linear.gather [spmem:s7], $0xC350, $0x38;
	[tilespmem:$0x197A0] =	vst v63  }
0x87: {  	s28 =	sadd.s32 $0x1, s28;
	_ =	swait.ge [sflag:s19], $0xC350  }
0x88: {  	p1 =	sne.s32 s28, s13;
	[sflag:s19] =	ssyncset.done $0x0  }
.Ltmp2:
0x89: {  	[sflag:s19] =	ssyncadd.s32 $0xFFFF3CB0;
	(pc) =	sbr.rel @p1 .LBB2_1-.Ltmp2, $4  }
0x8a: {  	[hbm4b:s12+s4] =	stream.linear.scatter [tilespmem:s18], [sflag:$0x5], $0xC350, $0x38;
	[tilespmem:$0x197A0] =	vst v63  }
0x8b: {  	_ =	swait.ge [sflag:s19], $0xC350  }
0x8c: {  	[sflag:s19] =	ssyncset.done $0x0  }
0x8d: {  	[sflag:s19] =	ssyncadd.s32 $0xFFFF3CB0  }
0x8e: {  	_ =	sfence.sel $0x180000  }
0x8f: {  	[bflag:$0x0] =	sbarrier.arrive $0xFFFF  }
0x90: {  	_ =	strace $0x9000004A  }
0x91: {  	[bflag:$0x2] =	sbarrier.arrive $0xFFFF  }
0x92: {  	p0 =	sne.s32 s3, $0x0;
	s0 =	rddreg [dreg:$0x4]  }
0x93: {  	s0 =	sadd.s32 @!p0 $0x100000, s0  }
0x94: {  	[sflag:s0] =	ssyncadd.tile.s32 @!p0 $0x1;
	_ =	shalt  }
.Lfunc_end2:
_tile_overlayer_lowered:
.L_overlay_start_2:
0x95: {  	(tag) =	ssettag $0x2  }
0x96: {  	s0 =	rddreg [dreg:$0x0];
	s2 =	stileid.u32  }
0x97: {  	s1 =	rddreg [dreg:$0x1];
	p0 =	sne.s32 s2, $0x0  }
0x98: {  	s3 =	rddreg [dreg:$0x2];
	[bflag:$0x3] =	sbarrier.arrive $0xFFFF;
	s2 =	simm.s32 @!p0 $0x1C05  }
0x99: {  	[timem:s3], [sflag:s2] =	dma.local @!p0 [hbm:s0], s1  }
0x9a: {  	s0 =	simm.s32 @!p0 $0x5  }
0x9b: {  	_ =	swait.ge @!p0 [sflag:s0], s1  }
0x9c: {  	s1 =	ssub.s32 @!p0 $0x0, s1;
	[sflag:s0] =	ssyncset.done @!p0 $0x0  }
0x9d: {  	[sflag:s0] =	ssyncadd.s32 @!p0 s1  }
0x9e: {  	[bflag:$0x3] =	sbarrier.arrive $0xFFFF  }
0x9f: {  	_ =	shalt  }

// kernel: sparse-core-data-format-call.cloned.1.call-start
scs
called_computation_lowered:
.L_overlay_start_0:
0x0: {  	s1 =	sld [smem:$0x3FD9]  }
0x1: {  	s2 =	sld [smem:$0x3FFE];
	_ =	sdelay $0x1  }
0x2: {  	s3 =	srdreg.scid  }
0x3: {  	s0 =	sand.u32 $0x1, s3  }
0x4: {  	s17 =	sshll.u32 s0, $0xA;
	s1 =	sadd.s32 s2, s1  }
0x5: {  	s1 =	sadd.s32 s1, s17  }
0x6: {  	[smem:$0x3FB0] =	sst s1  }
0x7: {  	_ = 	snop  }
0x8: {  	(tm) =	ssettm $0x1  }
0x9: {  	s18 =	sld [smem:$0x3FFB];
	_ =	sdelay $0x3  }
0xa: {  	_ =	strace s18  }
0xb: {  	s1 =	sld [smem:$0x3FFC];
	_ =	sdelay $0x3  }
0xc: {  	_ =	strace s1  }
0xd: {  	s1 =	sld [smem:$0x3FFD];
	_ =	sdelay $0x3  }
0xe: {  	_ =	strace s1  }
0xf: {  	_ =	strace $0x8FFFFFFF  }
0x10: {  	s19 =	sld [smem:$0x3FDB];
	_ =	sdelay $0x1  }
0x11: {  	s20 =	simm.s32 $_scs_section_size  }
0x12: {  	s4 =	simm.s32 $_size__tile_overlayer_lowered;
	s5 =	simm.s32 $_tile_overlayer_lowered  }
0x13: {  	s23 =	simm.s32 $0x1BFF;
	s22 =	sshll.u32 s5, $0x1;
	s1 =	sadd.s32 s20, s19  }
0x14: {  	s6 =	simm.s32 $0x0;
	s21 =	sshll.u32 s4, $0x1;
	s4 =	sadd.s32 s22, s1  }
0x15: {  	[timem:s6], [sflag:s23] =	dma.local [hbm:s4], s21  }
0x16: {  	_ =	swait.ge [sflag:s23], s21  }
0x17: {  	s2 =	ssub.s32 $0x0, s21;
	[sflag:s23] =	ssyncset.done $0x0  }
0x18: {  	[sflag:s23] =	ssyncadd.s32 s2;
	_ =	sdelay $0x1  }
0x19: {  	s24 =	simm.s32 $0x1B8B  }
0x1a: {  	_ =	swait.ge [sflag:s24], $0x1  }
0x1b: {  	[sflag:s24] =	ssyncset.done $0x0  }
0x1c: {  	s26 =	simm.s32 $0x1B8E;
	s25 =	sld [smem:$0x3FFE];
	[sflag:s24] =	ssyncadd.s32 $0xFFFFFFFF  }
0x1d: {  	s27 =	simm.s32 $execute0_lowered;
	[smem:$0x3FD2] =	sst s26  }
0x1e: {  	s4 =	sshll.u32 s27, $0x1;
	_ =	strace $0x80000046;
	[dreg:$0x1] =	wrdreg $0xFFFFFFFF  }
0x1f: {  	s28 =	simm.s32 $_size_execute0_lowered;
	s1 =	sadd.s32 s1, s4;
	[dreg:$0x0] =	wrdreg $0x0  }
0x20: {  	s4 =	sshll.u32 s28, $0x1;
	[dreg:$0x2] =	wrdreg s1  }
0x21: {  	[dreg:$0x3] =	wrdreg s4  }
0x22: {  	[dreg:$0x4] =	wrdreg $0xC0  }
0x23: {  	_ =	task [dreg:s6], $0x5FFFF  }
0x24: {  	[dreg:$0x1] =	wrdreg $0xFFFFFFFF  }
0x25: {  	[dreg:$0x0] =	wrdreg $0x60  }
0x26: {  	[dreg:$0x2] =	wrdreg s25  }
0x27: {  	[dreg:$0x3] =	wrdreg $0x9  }
0x28: {  	_ =	task.clear_ibuf [dreg:s6], $0x4FFFF;
	_ =	strace $0x90000046  }
0x29: {  	s29 =	simm.s32 $0x9;
	_ =	strace $0x80000048  }
0x2a: {  	_ =	swait.ge [sflag:s29], $0x1  }
0x2b: {  	[sflag:s29] =	ssyncadd.s32 $0xFFFFFFFF  }
0x2c: {  	_ =	strace $0x90000048  }
0x2d: {  	_ =	sfence  }
0x2e: {  	s30 =	sld [smem:$0x0];
	_ =	sdelay $0x2  }
0x2f: {  	s31 =	sshll.u32 s3, $0xD;
	s3 =	sshrl.u32 s3, $0x2  }
0x30: {  	s2 =	sand.u32 $0x4000, s31;
	s1 =	sadd.s32 s3, s30  }
0x31: {  	s0 =	sor.u32 s2, s0;
	s1 =	sshll.u32 s1, $0x11  }
0x32: {  	s0 =	sor.u32 s1, s0  }
0x33: {  	s0 =	sadd.s32 $0x8F2B, s0  }
0x34: {  	[sflag:s0] =	ssyncadd.remote.s32 $0x1  }
0x35: {  	_ =	sfence.sel $0xFFFF  }
0x36: {  	[dreg:$0x0] =	wrdreg $0xFFFFFFFF;
	(pc) =	sbr.abs _section_cstart, $3  }
0x37: {  	[dreg:$0x1] =	wrdreg $0xFFFFFFFF  }
0x38: {  	_ =	task.clear_ibuf [dreg:s6], $0x2FFFF;
	_ =	strace $0x9FFFFFFF  }
0x39: {  	(tm) =	ssettm $0x7FFFFFFF  }
tec
execute0_lowered:
.L_overlay_start_1:
0x0: {  	(tag) =	ssettag $0x1  }
0x1: {  	s0 =	srdreg.scid  }
0x2: {  	s6 =	rddreg [dreg:$0x0];
	s7 =	simm.s32 $0x1;
	s1 =	sshll.u32 s0, $0x4  }
0x3: {  	s8 =	simm.s32 $0x2;
	s0 =	stileid.u32;
	s1 =	sand.u32 $0x10, s1  }
0x4: {  	s13 =	simm.s32 $0x0;
	s12 =	simm.s32 $0x0;
	s1 =	sor.u32 s0, s1  }
0x5: {  	s10 =	simm.s32 $0x0;
	s11 =	simm.s32 $0x0;
	s2 =	sshll.u32 s1, $0x8  }
0x6: {  	s3 =	sadd.s32 $0xC7A00, s6;
	s6 =	sadd.s32 $0x24E400, s6;
	s5 =	ssub.s32 $0xC3500, s2  }
.Ltmp0:
0x7: {  	s1 =	rddreg [dreg:$0x1];
	s4 =	sand.u32 $0x1F00, s5;
	(pc) =	sbr.rel .LBB1_1-.Ltmp0, $4  }
0x8: {  	_ =	strace $0x80000047;
	s9 =	smov.u32 s2;
	p0 =	sne.s32 s4, $0x0  }
0x9: {  	s5 =	sshrl.u32 s5, $0xD;
	s4 =	simm.s32 $0x1;
	s7 =	simm.s32 @!p0 $0x0  }
0xa: {  	[sflag:s4] =	ssyncpa.u1 $0x0;
	p0 =	por $0x0, $0x0;
	s5 =	sadd.s32 s7, s5  }
0xb: {  	[sflag:s8] =	ssyncpa.u1 $0x0;
	s8 =	simm.s32 $0x80;
	s7 =	sadd.s32 $0x1, s5  }
.LBB1_4:
0xc: {  	_ =	sdelay $0x3  }
0xd: {  	s21 =	sor.u32 s24, s23;
	v47 =	vld.idx.msk [tilespmem:v0+s16+$0x470 ss:$0x1], $0xffff  }
0xe: {  	v57 =	vld.idx.msk [tilespmem:v0+s21+$0x410 ss:$0x1], $0xffff  }
0xf: {  	v58 =	vld.idx.msk [tilespmem:v0+s21+$0x420 ss:$0x1], $0xffff  }
0x10: {  	[tilespmem:s18+$0x660 ss:$0x11] =	vst.msk $0xffff, v8;
	v59 =	vld.idx.msk [tilespmem:v0+s21+$0x430 ss:$0x1], $0xffff  }
0x11: {  	[tilespmem:s18+$0x770 ss:$0x11] =	vst.msk $0xffff, v7;
	v60 =	vld.idx.msk [tilespmem:v0+s21+$0x440 ss:$0x1], $0xffff  }
0x12: {  	[tilespmem:s18+$0x990 ss:$0x11] =	vst.msk $0xffff, v1;
	s22 =	sand.u32 $0xB00, s21;
	v61 =	vld.idx.msk [tilespmem:v0+s21+$0x450 ss:$0x1], $0xffff  }
0x13: {  	s20 =	sand.u32 $0x80, s20;
	[tilespmem:s18+$0xAA0 ss:$0x11] =	vst.msk $0xffff, v2;
	v62 =	vld.idx.msk [tilespmem:v0+s21+$0x460 ss:$0x1], $0xffff;
	s15 =	sadd.s32 s22, s15  }
0x14: {  	[tilespmem:s18+$0xBB0 ss:$0x11] =	vst.msk $0xffff, v3;
	v63 =	vld.idx.msk [tilespmem:v0+s21+$0x470 ss:$0x1], $0xffff;
	s15 =	sadd.s32 s20, s15  }
0x15: {  	[tilespmem:s18+$0xCC0 ss:$0x11] =	vst.msk $0xffff, v4;
	v48 =	vld [tilespmem:s15+$0x400]  }
0x16: {  	[tilespmem:s18+$0xDD0 ss:$0x11] =	vst.msk $0xffff, v5;
	v49 =	vld [tilespmem:s15+$0x0]  }
0x17: {  	s25 =	sshra.s32 s19, $0x2;
	[tilespmem:s18+$0xEE0 ss:$0x11] =	vst.msk $0xffff, v6;
	v50 =	vld [tilespmem:s15+$0x10]  }
0x18: {  	s16 =	sadd.s32 s25, s17;
	v51 =	vld [tilespmem:s15+$0x20];
	[tilespmem:s18+$0xFF0 ss:$0x11] =	vst.msk $0xffff, v47  }
0x19: {  	v52 =	vld [tilespmem:s15+$0x30];
	[tilespmem:s16+$0x990 ss:$0x11] =	vst.msk $0xffff, v57  }
0x1a: {  	v53 =	vld [tilespmem:s15+$0x40];
	[tilespmem:s16+$0xAA0 ss:$0x11] =	vst.msk $0xffff, v58  }
0x1b: {  	v54 =	vld [tilespmem:s15+$0x50];
	[tilespmem:s16+$0xBB0 ss:$0x11] =	vst.msk $0xffff, v59  }
0x1c: {  	s13 =	sshll.u32 s13, $0x7;
	s26 =	sshll.u32 s12, $0x3;
	v55 =	vld [tilespmem:s15+$0x60];
	[tilespmem:s16+$0xCC0 ss:$0x11] =	vst.msk $0xffff, v60  }
0x1d: {  	s27 =	sand.u32 $0xFFFFFC00, s13;
	v56 =	vld [tilespmem:s15+$0x70];
	s15 =	sand.u32 $0xFFFFFC00, s26;
	[tilespmem:s16+$0xDD0 ss:$0x11] =	vst.msk $0xffff, v61  }
0x1e: {  	s13 =	sand.u32 $0x380, s13;
	s15 =	sadd.s32 s15, s27;
	[tilespmem:s16+$0xEE0 ss:$0x11] =	vst.msk $0xffff, v62  }
0x1f: {  	s13 =	sor.u32 s13, s15;
	[tilespmem:s16+$0xFF0 ss:$0x11] =	vst.msk $0xffff, v63  }
0x20: {  	s13 =	sshrl.u32 s13, $0x7;
	[tilespmem:s16+$0x880 ss:$0x11] =	vst.msk $0xffff, v48  }
0x21: {  	s28 =	smulhi.u32 $0x14F8B59, s13;
	[tilespmem:s16+$0x0 ss:$0x11] =	vst.msk $0xffff, v49  }
0x22: {  	[tilespmem:s16+$0x110 ss:$0x11] =	vst.msk $0xffff, v50  }
0x23: {  	[tilespmem:s16+$0x220 ss:$0x11] =	vst.msk $0xffff, v51;
	s15 =	sshrl.u32 s28, $0xC  }
0x24: {  	[tilespmem:s16+$0x330 ss:$0x11] =	vst.msk $0xffff, v52;
	s15 =	smul.u32 $0xC3500, s15  }
0x25: {  	s29 =	sshrl.u32 s12, $0x3;
	[tilespmem:s16+$0x440 ss:$0x11] =	vst.msk $0xffff, v53  }
0x26: {  	s31 =	sand.u32 $0x7, s12;
	s30 =	sand.u32 $0xF, s29;
	[tilespmem:s16+$0x550 ss:$0x11] =	vst.msk $0xffff, v54;
	s13 =	ssub.s32 s13, s15  }
0x27: {  	s12 =	sshll.u32 s31, $0x12;
	[tilespmem:s16+$0x660 ss:$0x11] =	vst.msk $0xffff, v55;
	s15 =	sadd.s32 s6, s30;
	s13 =	sshll.u32 s13, $0x4  }
0x28: {  	s12 =	sor.u32 $0x10, s12;
	[tilespmem:s16+$0x770 ss:$0x11] =	vst.msk $0xffff, v56;
	s13 =	sadd.s32 s13, s15  }
0x29: {  	[hbm4b:s13+s12] =	stream.strided.scatter [tilespmem:s14], [sflag:$0x2], $0x1000, s8, s12, $0x8;
	[tilespmem:$0x4200] =	vst v63  }
.LBB1_5:
0x2a: {  	s14 =	sadd.s32 $0x2000, s9  }
0x2b: {  	s12 =	sadd.s32 $0x10, s10;
	s16 =	smov.u32 s10;
	p2 =	sgt.s32 s14, $0xC34FF  }
0x2c: {  	s16 =	smov.u32 @p2 s12  }
0x2d: {  	s14 =	smov.u32 @p2 s2;
	p2 =	sgt.s32 s16, $0xF  }
0x2e: {  	s16 =	simm.s32 @p2 $0x0;
	p2 =	sne.s32 s11, s7  }
.Ltmp1:
0x2f: {  	p1 =	slt.u32 s11, $0x2;
	(pc) =	sbr.rel @!p2 .LBB1_6-.Ltmp1, $4  }
0x30: {  	s15 =	simm.s32 @!p1 $0x2  }
0x31: {  	s13 =	smov.u32 s9;
	p0 =	por !p0, !p0;
	_ =	swait.ge @!p1 [sflag:s15], $0x1000  }
0x32: {  	s12 =	smov.u32 s10;
	[sflag:s15] =	ssyncset.done @!p1 $0x0;
	s9 =	smov.u32 s14  }
0x33: {  	s11 =	sadd.s32 $0x1, s11;
	[sflag:s15] =	ssyncadd.s32 @!p1 $0xFFFFF000;
	s10 =	smov.u32 s16  }
.LBB1_1:
0x34: {  	p1 =	sge.u32 s11, s5  }
0x35: {  	s14 =	sshrl.u32 @!p1 s10, $0x3  }
0x36: {  	s15 =	sshll.u32 @!p1 s9, $0x3;
	s14 =	smul.u32 @!p1 $0x61A800, s14  }
0x37: {  	s16 =	sshll.u32 @!p1 s10, $0x7;
	s15 =	sand.u32 @!p1 $0xFFFFFC00, s15  }
0x38: {  	s14 =	sadd.s32 @!p1 s14, s15;
	s15 =	sand.u32 @!p1 $0x380, s16  }
0x39: {  	s14 =	sor.u32 @!p1 s15, s14  }
0x3a: {  	s15 =	sshrl.u32 @!p1 s14, $0x8  }
0x3b: {  	s15 =	smulhi.u32 @!p1 $0x14F8B59, s15;
	_ =	sdelay $0x1  }
0x3c: {  	s15 =	sshrl.u32 @!p1 s15, $0x4  }
0x3d: {  	s16 =	sand.u32 @!p1 $0x7F, s9;
	s17 =	smul.u32 @!p1 $0xC3500, s15  }
0x3e: {  	s31 =	sadd.s32 $0xFFFFFFFF, s11;
	s14 =	sor.u32 @!p1 s16, s14;
	s16 =	sxor.u32 @!p1 $0xFFFFFFFF, s11  }
0x3f: {  	s16 =	sshll.u32 @!p1 s16, $0xC;
	s15 =	sand.u32 @!p1 $0xF, s15;
	s14 =	ssub.s32 @!p1 s14, s17  }
0x40: {  	s15 =	smul.u32 @!p1 $0x186A0, s15;
	s17 =	sshrl.u32 @!p1 s14, $0x3;
	s14 =	sand.u32 @!p1 $0x7, s14  }
0x41: {  	s16 =	sand.u32 @!p1 $0x1000, s16;
	s17 =	sadd.s32 @!p1 s3, s17;
	s14 =	sshll.u32 @!p1 s14, $0x12  }
0x42: {  	s15 =	sadd.s32 @!p1 s15, s17;
	s14 =	sor.u32 @!p1 $0x800, s14;
	s17 =	simm.s32 @!p1 $0x61A800  }
0x43: {  	[tilespmem:s16], [sflag:$0x1] =	stream.strided.gather @!p1 [hbm4b:s15+s14], $0x1000, s17, s14, $0x38;
	[tilespmem:$0x4200] =	vst v63  }
0x44: {  	p1 =	sge.u32 s31, s5  }
.Ltmp2:
0x45: {  	_ = 	snop;
	(pc) =	sbr.rel @p1 .LBB1_5-.Ltmp2, $1  }
0x46: {  	_ =	sdelay $0x3  }
0x47: {  	s17 =	simm.s32 $0x0  }
0x48: {  	s16 =	sand.u32 $0x800, s17;
	s18 =	sand.u32 $0x380, s17  }
0x49: {  	s14 =	sand.u32 $0x1, s11;
	s16 =	sor.u32 s18, s16  }
0x4a: {  	_ =	swait.ge [sflag:s4], $0x1000;
	s15 =	sshll.u32 s14, $0xC;
	s18 =	sand.u32 $0xB00, s16  }
0x4b: {  	[sflag:s4] =	ssyncset.done $0x0;
	s17 =	sand.u32 $0x80, s17;
	s18 =	sadd.s32 s18, s15  }
0x4c: {  	[sflag:s4] =	ssyncadd.s32 $0xFFFFF000;
	s20 =	sadd.s32 s17, s18  }
0x4d: {  	v4 =	vld [tilespmem:s20+$0x400]  }
0x4e: {  	s19 =	simm.s32 $0x1;
	v5 =	vld [tilespmem:s20+$0x0]  }
0x4f: {  	s19 =	simm.s32 @!p0 $0x0;
	v6 =	vld [tilespmem:s20+$0x10]  }
0x50: {  	v0 =	vmov s15;
	s31 =	smul.u32 $0x4400, s19;
	v7 =	vld [tilespmem:s20+$0x20]  }
0x51: {  	v9 =	vld [tilespmem:s20+$0x30]  }
0x52: {  	s17 =	sshrl.u32 s31, $0x2;
	v10 =	vld [tilespmem:s20+$0x40]  }
0x53: {  	s17 =	sor.u32 $0x2000, s17;
	v11 =	vld [tilespmem:s20+$0x50]  }
0x54: {  	v8 =	vld [tilespmem:s20+$0x60];
	s18 =	sadd.s32 $0x0, s17  }
0x55: {  	v1 =	vld.idx.msk [tilespmem:v0+s16+$0x410 ss:$0x1], $0xffff;
	[tilespmem:s18+$0x880 ss:$0x11] =	vst.msk $0xffff, v4  }
0x56: {  	v2 =	vld.idx.msk [tilespmem:v0+s16+$0x420 ss:$0x1], $0xffff;
	[tilespmem:s18+$0x0 ss:$0x11] =	vst.msk $0xffff, v5  }
0x57: {  	v3 =	vld.idx.msk [tilespmem:v0+s16+$0x430 ss:$0x1], $0xffff;
	[tilespmem:s18+$0x110 ss:$0x11] =	vst.msk $0xffff, v6  }
0x58: {  	s14 =	smul.u32 $0x4400, s14;
	[tilespmem:s18+$0x220 ss:$0x11] =	vst.msk $0xffff, v7;
	v7 =	vld [tilespmem:s20+$0x70]  }
0x59: {  	s21 =	simm.s32 $0x100;
	s22 =	simm.s32 $0x8;
	[tilespmem:s18+$0x330 ss:$0x11] =	vst.msk $0xffff, v9;
	v4 =	vld.idx.msk [tilespmem:v0+s16+$0x440 ss:$0x1], $0xffff  }
0x5a: {  	s23 =	sand.u32 $0x800, s21;
	s14 =	sshrl.u32 s14, $0x2;
	[tilespmem:s18+$0x440 ss:$0x11] =	vst.msk $0xffff, v10;
	v5 =	vld.idx.msk [tilespmem:v0+s16+$0x450 ss:$0x1], $0xffff;
	s20 =	simm.s32 $0x80  }
0x5b: {  	s19 =	simm.s32 $0x4;
	s14 =	sor.u32 $0x2000, s14;
	[tilespmem:s18+$0x550 ss:$0x11] =	vst.msk $0xffff, v11;
	v6 =	vld.idx.msk [tilespmem:v0+s16+$0x460 ss:$0x1], $0xffff;
	s24 =	sand.u32 $0x380, s20  }
.LBB1_3:
0x5c: {  	p1 =	sne.s32 s22, $0x3C;
	[tilespmem:s18+$0x660 ss:$0x11] =	vst.msk $0xffff, v8;
	v8 =	vld.idx.msk [tilespmem:v0+s16+$0x470 ss:$0x1], $0xffff;
	s16 =	sor.u32 s24, s23  }
0x5d: {  	s23 =	sand.u32 $0xB00, s16;
	v9 =	vld.idx.msk [tilespmem:v0+s16+$0x410 ss:$0x1], $0xffff;
	[tilespmem:s18+$0x770 ss:$0x11] =	vst.msk $0xffff, v7  }
0x5e: {  	s24 =	sand.u32 $0x80, s20;
	s23 =	sadd.s32 s23, s15;
	v7 =	vld.idx.msk [tilespmem:v0+s16+$0x420 ss:$0x1], $0xffff;
	[tilespmem:s18+$0x990 ss:$0x11] =	vst.msk $0xffff, v1  }
0x5f: {  	s23 =	sadd.s32 s24, s23;
	v10 =	vld.idx.msk [tilespmem:v0+s16+$0x430 ss:$0x1], $0xffff;
	[tilespmem:s18+$0xAA0 ss:$0x11] =	vst.msk $0xffff, v2  }
0x60: {  	v11 =	vld [tilespmem:s23+$0x400];
	[tilespmem:s18+$0xBB0 ss:$0x11] =	vst.msk $0xffff, v3  }
0x61: {  	v12 =	vld [tilespmem:s23+$0x0];
	[tilespmem:s18+$0xCC0 ss:$0x11] =	vst.msk $0xffff, v4  }
0x62: {  	v4 =	vld [tilespmem:s23+$0x10];
	[tilespmem:s18+$0xDD0 ss:$0x11] =	vst.msk $0xffff, v5  }
0x63: {  	s24 =	sshra.s32 s19, $0x2;
	s19 =	smov.u32 s22;
	v1 =	vmov v9;
	v5 =	vld [tilespmem:s23+$0x20];
	[tilespmem:s18+$0xEE0 ss:$0x11] =	vst.msk $0xffff, v6  }
0x64: {  	v2 =	vmov v7;
	v6 =	vld [tilespmem:s23+$0x30];
	[tilespmem:s18+$0xFF0 ss:$0x11] =	vst.msk $0xffff, v8;
	s18 =	sadd.s32 s24, s17  }
0x65: {  	v3 =	vmov v10;
	v9 =	vld [tilespmem:s23+$0x40];
	[tilespmem:s18+$0x880 ss:$0x11] =	vst.msk $0xffff, v11  }
0x66: {  	[tilespmem:s18+$0x0 ss:$0x11] =	vst.msk $0xffff, v12;
	v10 =	vld [tilespmem:s23+$0x50]  }
.Ltmp3:
0x67: {  	[tilespmem:s18+$0x110 ss:$0x11] =	vst.msk $0xffff, v4;
	v8 =	vld [tilespmem:s23+$0x60];
	(pc) =	sbr.rel @p1 .LBB1_3-.Ltmp3, $4  }
0x68: {  	[tilespmem:s18+$0x220 ss:$0x11] =	vst.msk $0xffff, v5;
	v7 =	vld [tilespmem:s23+$0x70]  }
0x69: {  	[tilespmem:s18+$0x330 ss:$0x11] =	vst.msk $0xffff, v6;
	v4 =	vld.idx.msk [tilespmem:v0+s16+$0x440 ss:$0x1], $0xffff  }
0x6a: {  	s20 =	sadd.s32 $0x80, s20;
	s21 =	sadd.s32 $0x100, s21;
	[tilespmem:s18+$0x440 ss:$0x11] =	vst.msk $0xffff, v9;
	v5 =	vld.idx.msk [tilespmem:v0+s16+$0x450 ss:$0x1], $0xffff  }
0x6b: {  	s22 =	sadd.s32 $0x4, s22;
	s24 =	sand.u32 $0x380, s20;
	s23 =	sand.u32 $0x800, s21;
	[tilespmem:s18+$0x550 ss:$0x11] =	vst.msk $0xffff, v10;
	v6 =	vld.idx.msk [tilespmem:v0+s16+$0x460 ss:$0x1], $0xffff  }
.Ltmp4:
0x6c: {  	_ = 	snop;
	(pc) =	sbr.rel .LBB1_4-.Ltmp4, $1  }
0x6d: {  	_ =	sdelay $0x3  }
.LBB1_6:
0x6e: {  	_ =	sfence.sel $0x180000  }
0x6f: {  	s2 =	simm.s32 $0x1;
	[bflag:$0x0] =	sbarrier.arrive $0xFFFF  }
0x70: {  	s31 =	simm.s32 $0x2;
	[sflag:s2] =	ssyncpa.u1 $0x1  }
0x71: {  	[sflag:s31] =	ssyncpa.u1 $0x1  }
0x72: {  	p0 =	sne.s32 s0, $0x0;
	_ =	strace $0x90000047  }
0x73: {  	s0 =	sadd.s32 @!p0 $0x100000, s1;
	[bflag:$0x2] =	sbarrier.arrive $0xFFFF  }
0x74: {  	[sflag:s0] =	ssyncadd.tile.s32 @!p0 $0x1;
	_ =	shalt  }
.Lfunc_end1:
_tile_overlayer_lowered:
.L_overlay_start_2:
0x75: {  	(tag) =	ssettag $0x2  }
0x76: {  	s0 =	rddreg [dreg:$0x0];
	s2 =	stileid.u32  }
0x77: {  	s1 =	rddreg [dreg:$0x1];
	p0 =	sne.s32 s2, $0x0  }
0x78: {  	s3 =	rddreg [dreg:$0x2];
	[bflag:$0x3] =	sbarrier.arrive $0xFFFF;
	s2 =	simm.s32 @!p0 $0x1C01  }
0x79: {  	[timem:s3], [sflag:s2] =	dma.local @!p0 [hbm:s0], s1  }
0x7a: {  	s0 =	simm.s32 @!p0 $0x1  }
0x7b: {  	_ =	swait.ge @!p0 [sflag:s0], s1  }
0x7c: {  	s1 =	ssub.s32 @!p0 $0x0, s1;
	[sflag:s0] =	ssyncset.done @!p0 $0x0  }
0x7d: {  	[sflag:s0] =	ssyncadd.s32 @!p0 s1  }
0x7e: {  	[bflag:$0x3] =	sbarrier.arrive $0xFFFF  }
0x7f: {  	_ =	shalt  }

</sc_bundles>
